<compile_context>
chip_gen: v7x
topology: tpu7x:2x2x1
jax: 0.10.2.dev20260603
libtpu: 0.0.44.dev20260713+nightly
codegen_flags: <defaults>
</compile_context>

<pallas_src>
import functools

import jax
import jax.numpy as jnp
from jax import lax
from jax.experimental import pallas as pl
from jax.experimental.pallas import tpu as pltpu
from jax.experimental.pallas import tpu_sc as plsc

NC = 2
NS = 16
NW = NC * NS

B = 4
S = 8192
D = 1024
ROWS_PER_W = S // NW
CHUNK = 32

STREAM_ROWS = 192
SPMEM_ROWS = ROWS_PER_W - STREAM_ROWS
N_ST = STREAM_ROWS // CHUNK
N_SP = SPMEM_ROWS // CHUNK


def _make_sc_copy():
    mesh = plsc.VectorSubcoreMesh(core_axis_name="c", subcore_axis_name="s")

    @functools.partial(
        pl.kernel,
        out_type=jax.ShapeDtypeStruct((B, S, D), jnp.float32),
        mesh=mesh,
        compiler_params=pltpu.CompilerParams(use_tc_tiling_on_sc=True),
        scratch_types=[
            pltpu.VMEM((CHUNK, D), jnp.float32),
            pltpu.VMEM((CHUNK, D), jnp.float32),
            pltpu.VMEM_SHARED((NS, 2, CHUNK, D), jnp.float32),
            pltpu.SemaphoreType.DMA,
            pltpu.SemaphoreType.DMA,
            pltpu.SemaphoreType.DMA,
            pltpu.SemaphoreType.DMA,
            pltpu.SemaphoreType.DMA,
            pltpu.SemaphoreType.DMA,
            pltpu.SemaphoreType.DMA,
            pltpu.SemaphoreType.DMA,
        ],
    )
    def body(table_hbm, out_hbm, buf0, buf1, shb,
             isem0, isem1, osem0, osem1,
             s_isem0, s_isem1, s_osem0, s_osem1):
        cid = lax.axis_index("c")
        sid = lax.axis_index("s")
        wid = sid * NC + cid
        base = wid * ROWS_PER_W

        class Pipe:

            def __init__(self, r_base, n, chunk, bufs, isems, osems):
                self.r_base, self.n, self.chunk = r_base, n, chunk
                self.bufs, self.isems, self.osems = bufs, isems, osems
                self.in_h = [None] * n
                self.out_h = [[] for _ in range(n)]
                self.step = 0

            def start_in(self, i):
                r0 = self.r_base + i * self.chunk
                self.in_h[i] = pltpu.async_copy(
                    table_hbm.at[pl.ds(r0, self.chunk)],
                    self.bufs[i % len(self.bufs)],
                    self.isems[i % len(self.isems)])

            def advance(self):
                i = self.step
                if i >= self.n:
                    return False
                cur = i % len(self.bufs)
                self.in_h[i].wait()
                r0 = self.r_base + i * self.chunk
                for b in range(B):
                    self.out_h[i].append(pltpu.async_copy(
                        self.bufs[cur],
                        out_hbm.at[b, pl.ds(r0, self.chunk)],
                        self.osems[i % len(self.osems)]))
                if i + 1 < self.n:
                    if i >= 1:
                        for h in self.out_h[i - 1]:
                            h.wait()
                    self.start_in(i + 1)
                self.step += 1
                return True

            def drain(self):
                for i in range(max(0, self.n - 2), self.n):
                    for h in self.out_h[i]:
                        h.wait()

        stream_pipe = Pipe(base, N_ST, CHUNK, (buf0, buf1),
                           (isem0, isem1), (osem0, osem1))
        spmem_pipe = Pipe(base + STREAM_ROWS, N_SP, CHUNK,
                          (shb.at[sid, 0], shb.at[sid, 1]),
                          (s_isem0, s_isem1), (s_osem0, s_osem1))

        stream_pipe.start_in(0)
        spmem_pipe.start_in(0)
        alive = True
        while alive:
            alive = False
            alive |= spmem_pipe.advance()
            alive |= stream_pipe.advance()
        spmem_pipe.drain()
        stream_pipe.drain()

    return body


_sc_copy = _make_sc_copy()


def kernel(x, pos_table):
    del x
    return _sc_copy(pos_table)

# --- scband reference (transcript-rebuilt; emitter-appended) ---
"""Pipeline reference for scband-positional-encoding-26534307955293 (READ-ONLY COPY).

The authoritative reference and input builder live on the scoring server;
editing this copy changes nothing except your own understanding.
"""

import jax, jax.numpy as jnp
import numpy as np

N_EMBD = 1024
MAX_LEN = 8192
B, S, D = 4, 8192, 1024

def setup_inputs(seed: int = 0) -> dict:
    key = jax.random.key(seed)
    kx, kw = jax.random.split(key)
    x = jax.random.normal(kx, (B, S, D), dtype=jnp.float32)
    pos_table = jax.random.normal(kw, (MAX_LEN, N_EMBD), dtype=jnp.float32)
    return {"x": x, "pos_table": pos_table}

def reference(x, pos_table):
    # positions = arange(S) broadcast to [B, S], then embedding lookup
    positions = jnp.broadcast_to(jnp.arange(x.shape[1], dtype=jnp.int32)[None, :], (x.shape[0], x.shape[1]))
    return jnp.take(pos_table, positions, axis=0)

if __name__ == "__main__":
    import jax
    _d = setup_inputs()
    print(jax.jit(kernel)(*tuple(_d.values())))

</pallas_src>

<mosaic_0001>
#map = affine_map<(d0, d1) -> (0, 0)>
#map1 = affine_map<(d0, d1) -> (0, 0, 0)>
module attributes {stable_mosaic.version = 14 : i64} {
  func.func @body(%arg0: i32, %arg1: i32, %arg2: memref<8192x1024xf32, #tpu.memory_space<hbm>>, %arg3: memref<4x8192x1024xf32, #tpu.memory_space<hbm>>, %arg4: memref<32x1024xf32, #tpu.memory_space<vmem>>, %arg5: memref<32x1024xf32, #tpu.memory_space<vmem>>, %arg6: memref<16x2x32x1024xf32, #tpu.memory_space<vmem_shared>>, %arg7: memref<!tpu.dma_semaphore, #tpu.memory_space<semaphore_mem>>, %arg8: memref<!tpu.dma_semaphore, #tpu.memory_space<semaphore_mem>>, %arg9: memref<!tpu.dma_semaphore, #tpu.memory_space<semaphore_mem>>, %arg10: memref<!tpu.dma_semaphore, #tpu.memory_space<semaphore_mem>>, %arg11: memref<!tpu.dma_semaphore, #tpu.memory_space<semaphore_mem>>, %arg12: memref<!tpu.dma_semaphore, #tpu.memory_space<semaphore_mem>>, %arg13: memref<!tpu.dma_semaphore, #tpu.memory_space<semaphore_mem>>, %arg14: memref<!tpu.dma_semaphore, #tpu.memory_space<semaphore_mem>>) attributes {dimension_semantics = [#tpu.dimension_semantics<core_parallel>, #tpu.dimension_semantics<subcore_parallel>], iteration_bounds = array<i64: 2, 16>, scalar_prefetch = 0 : i64, scratch_operands = 11 : i64, tpu.core_type = #tpu.core_type<sc_vector_subcore>, window_params = [{transform_indices = #map}, {transform_indices = #map1}]} {
    %mul3A = arith.constant 2 : i32
    %mul3A_0 = arith.muli %arg1, %mul3A : i32
    %add3A = arith.addi %mul3A_0, %arg0 : i32
    %mul3A_1 = arith.constant 256 : i32
    %mul3A_2 = arith.muli %add3A, %mul3A_1 : i32
    %add3A_3 = arith.constant 192 : i32
    %add3A_4 = arith.addi %mul3A_2, %add3A_3 : i32
    %add3A_5 = arith.constant 0 : i32
    %add3A_6 = arith.addi %mul3A_2, %add3A_5 : i32
    %dma_start3A = arith.constant 0 : i32
    %dma_start3A_7 = tpu.memref_slice %arg2[%add3A_6, %dma_start3A] : memref<8192x1024xf32, #tpu.memory_space<hbm>> -> memref<32x1024xf32, #tpu.memory_space<hbm>>
    %dma_start3A_8 = arith.constant 0 : i32
    %dma_start3A_9 = tpu.memref_slice %arg2[%add3A_6, %dma_start3A_8] : memref<8192x1024xf32, #tpu.memory_space<hbm>> -> memref<32x1024xf32, #tpu.memory_space<hbm>>
    tpu.enqueue_dma source(%dma_start3A_9 : memref<32x1024xf32, #tpu.memory_space<hbm>>) target(%arg4 : memref<32x1024xf32, #tpu.memory_space<vmem>>) target_semaphore(%arg7 : memref<!tpu.dma_semaphore, #tpu.memory_space<semaphore_mem>>)
    %add3A_10 = arith.constant 0 : i32
    %add3A_11 = arith.addi %add3A_4, %add3A_10 : i32
    %dma_start3A_12 = arith.constant 0 : i32
    %dma_start3A_13 = arith.constant 0 : i32
    %dma_start3A_14 = arith.constant 0 : i32
    %dma_start3A_15 = tpu.memref_slice %arg6[%arg1, %dma_start3A_12, %dma_start3A_13, %dma_start3A_14] : memref<16x2x32x1024xf32, #tpu.memory_space<vmem_shared>> -> memref<1x1x32x1024xf32, #tpu.memory_space<vmem_shared>>
    %dma_start3A_16 = tpu.memref_squeeze %dma_start3A_15 : memref<1x1x32x1024xf32, #tpu.memory_space<vmem_shared>> -> memref<32x1024xf32, #tpu.memory_space<vmem_shared>>
    %dma_start3A_17 = arith.constant 0 : i32
    %dma_start3A_18 = tpu.memref_slice %arg2[%add3A_11, %dma_start3A_17] : memref<8192x1024xf32, #tpu.memory_space<hbm>> -> memref<32x1024xf32, #tpu.memory_space<hbm>>
    tpu.enqueue_dma source(%dma_start3A_18 : memref<32x1024xf32, #tpu.memory_space<hbm>>) target(%dma_start3A_16 : memref<32x1024xf32, #tpu.memory_space<vmem_shared>>) target_semaphore(%arg11 : memref<!tpu.dma_semaphore, #tpu.memory_space<semaphore_mem>>)
    %dma_wait3A = arith.constant 0 : i32
    %dma_wait3A_19 = arith.constant 0 : i32
    %dma_wait3A_20 = arith.constant 0 : i32
    %dma_wait3A_21 = tpu.memref_slice %arg6[%arg1, %dma_wait3A, %dma_wait3A_19, %dma_wait3A_20] : memref<16x2x32x1024xf32, #tpu.memory_space<vmem_shared>> -> memref<1x1x32x1024xf32, #tpu.memory_space<vmem_shared>>
    %dma_wait3A_22 = tpu.memref_squeeze %dma_wait3A_21 : memref<1x1x32x1024xf32, #tpu.memory_space<vmem_shared>> -> memref<32x1024xf32, #tpu.memory_space<vmem_shared>>
    %dma_wait3A_23 = arith.constant 0 : i32
    %dma_wait3A_24 = tpu.memref_slice %arg2[%add3A_11, %dma_wait3A_23] : memref<8192x1024xf32, #tpu.memory_space<hbm>> -> memref<32x1024xf32, #tpu.memory_space<hbm>>
    tpu.wait_dma2 semaphore(%arg11 : memref<!tpu.dma_semaphore, #tpu.memory_space<semaphore_mem>>) src(%dma_wait3A_24 : memref<32x1024xf32, #tpu.memory_space<hbm>>) dst(%dma_wait3A_22 : memref<32x1024xf32, #tpu.memory_space<vmem_shared>>)
    %add3A_25 = arith.constant 0 : i32
    %add3A_26 = arith.addi %add3A_4, %add3A_25 : i32
    %dma_start3A_27 = arith.constant 0 : i32
    %dma_start3A_28 = arith.constant 0 : i32
    %dma_start3A_29 = arith.constant 0 : i32
    %dma_start3A_30 = tpu.memref_slice %arg3[%dma_start3A_28, %add3A_26, %dma_start3A_29] : memref<4x8192x1024xf32, #tpu.memory_space<hbm>> -> memref<1x32x1024xf32, #tpu.memory_space<hbm>>
    %dma_start3A_31 = tpu.memref_squeeze %dma_start3A_30 : memref<1x32x1024xf32, #tpu.memory_space<hbm>> -> memref<32x1024xf32, #tpu.memory_space<hbm>>
    %dma_start3A_32 = arith.constant 0 : i32
    %dma_start3A_33 = arith.constant 0 : i32
    %dma_start3A_34 = tpu.memref_slice %arg6[%arg1, %dma_start3A_27, %dma_start3A_32, %dma_start3A_33] : memref<16x2x32x1024xf32, #tpu.memory_space<vmem_shared>> -> memref<1x1x32x1024xf32, #tpu.memory_space<vmem_shared>>
    %dma_start3A_35 = tpu.memref_squeeze %dma_start3A_34 : memref<1x1x32x1024xf32, #tpu.memory_space<vmem_shared>> -> memref<32x1024xf32, #tpu.memory_space<vmem_shared>>
    tpu.enqueue_dma source(%dma_start3A_35 : memref<32x1024xf32, #tpu.memory_space<vmem_shared>>) target(%dma_start3A_31 : memref<32x1024xf32, #tpu.memory_space<hbm>>) target_semaphore(%arg13 : memref<!tpu.dma_semaphore, #tpu.memory_space<semaphore_mem>>)
    %dma_start3A_36 = arith.constant 0 : i32
    %dma_start3A_37 = arith.constant 1 : i32
    %dma_start3A_38 = arith.constant 0 : i32
    %dma_start3A_39 = tpu.memref_slice %arg3[%dma_start3A_37, %add3A_26, %dma_start3A_38] : memref<4x8192x1024xf32, #tpu.memory_space<hbm>> -> memref<1x32x1024xf32, #tpu.memory_space<hbm>>
    %dma_start3A_40 = tpu.memref_squeeze %dma_start3A_39 : memref<1x32x1024xf32, #tpu.memory_space<hbm>> -> memref<32x1024xf32, #tpu.memory_space<hbm>>
    %dma_start3A_41 = arith.constant 0 : i32
    %dma_start3A_42 = arith.constant 0 : i32
    %dma_start3A_43 = tpu.memref_slice %arg6[%arg1, %dma_start3A_36, %dma_start3A_41, %dma_start3A_42] : memref<16x2x32x1024xf32, #tpu.memory_space<vmem_shared>> -> memref<1x1x32x1024xf32, #tpu.memory_space<vmem_shared>>
    %dma_start3A_44 = tpu.memref_squeeze %dma_start3A_43 : memref<1x1x32x1024xf32, #tpu.memory_space<vmem_shared>> -> memref<32x1024xf32, #tpu.memory_space<vmem_shared>>
    tpu.enqueue_dma source(%dma_start3A_44 : memref<32x1024xf32, #tpu.memory_space<vmem_shared>>) target(%dma_start3A_40 : memref<32x1024xf32, #tpu.memory_space<hbm>>) target_semaphore(%arg13 : memref<!tpu.dma_semaphore, #tpu.memory_space<semaphore_mem>>)
    %dma_start3A_45 = arith.constant 0 : i32
    %dma_start3A_46 = arith.constant 2 : i32
    %dma_start3A_47 = arith.constant 0 : i32
    %dma_start3A_48 = tpu.memref_slice %arg3[%dma_start3A_46, %add3A_26, %dma_start3A_47] : memref<4x8192x1024xf32, #tpu.memory_space<hbm>> -> memref<1x32x1024xf32, #tpu.memory_space<hbm>>
    %dma_start3A_49 = tpu.memref_squeeze %dma_start3A_48 : memref<1x32x1024xf32, #tpu.memory_space<hbm>> -> memref<32x1024xf32, #tpu.memory_space<hbm>>
    %dma_start3A_50 = arith.constant 0 : i32
    %dma_start3A_51 = arith.constant 0 : i32
    %dma_start3A_52 = tpu.memref_slice %arg6[%arg1, %dma_start3A_45, %dma_start3A_50, %dma_start3A_51] : memref<16x2x32x1024xf32, #tpu.memory_space<vmem_shared>> -> memref<1x1x32x1024xf32, #tpu.memory_space<vmem_shared>>
    %dma_start3A_53 = tpu.memref_squeeze %dma_start3A_52 : memref<1x1x32x1024xf32, #tpu.memory_space<vmem_shared>> -> memref<32x1024xf32, #tpu.memory_space<vmem_shared>>
    tpu.enqueue_dma source(%dma_start3A_53 : memref<32x1024xf32, #tpu.memory_space<vmem_shared>>) target(%dma_start3A_49 : memref<32x1024xf32, #tpu.memory_space<hbm>>) target_semaphore(%arg13 : memref<!tpu.dma_semaphore, #tpu.memory_space<semaphore_mem>>)
    %dma_start3A_54 = arith.constant 0 : i32
    %dma_start3A_55 = arith.constant 3 : i32
    %dma_start3A_56 = arith.constant 0 : i32
    %dma_start3A_57 = tpu.memref_slice %arg3[%dma_start3A_55, %add3A_26, %dma_start3A_56] : memref<4x8192x1024xf32, #tpu.memory_space<hbm>> -> memref<1x32x1024xf32, #tpu.memory_space<hbm>>
    %dma_start3A_58 = tpu.memref_squeeze %dma_start3A_57 : memref<1x32x1024xf32, #tpu.memory_space<hbm>> -> memref<32x1024xf32, #tpu.memory_space<hbm>>
    %dma_start3A_59 = arith.constant 0 : i32
    %dma_start3A_60 = arith.constant 0 : i32
    %dma_start3A_61 = tpu.memref_slice %arg6[%arg1, %dma_start3A_54, %dma_start3A_59, %dma_start3A_60] : memref<16x2x32x1024xf32, #tpu.memory_space<vmem_shared>> -> memref<1x1x32x1024xf32, #tpu.memory_space<vmem_shared>>
    %dma_start3A_62 = tpu.memref_squeeze %dma_start3A_61 : memref<1x1x32x1024xf32, #tpu.memory_space<vmem_shared>> -> memref<32x1024xf32, #tpu.memory_space<vmem_shared>>
    tpu.enqueue_dma source(%dma_start3A_62 : memref<32x1024xf32, #tpu.memory_space<vmem_shared>>) target(%dma_start3A_58 : memref<32x1024xf32, #tpu.memory_space<hbm>>) target_semaphore(%arg13 : memref<!tpu.dma_semaphore, #tpu.memory_space<semaphore_mem>>)
    %add3A_63 = arith.constant 32 : i32
    %add3A_64 = arith.addi %add3A_4, %add3A_63 : i32
    %dma_start3A_65 = arith.constant 1 : i32
    %dma_start3A_66 = arith.constant 0 : i32
    %dma_start3A_67 = arith.constant 0 : i32
    %dma_start3A_68 = tpu.memref_slice %arg6[%arg1, %dma_start3A_65, %dma_start3A_66, %dma_start3A_67] : memref<16x2x32x1024xf32, #tpu.memory_space<vmem_shared>> -> memref<1x1x32x1024xf32, #tpu.memory_space<vmem_shared>>
    %dma_start3A_69 = tpu.memref_squeeze %dma_start3A_68 : memref<1x1x32x1024xf32, #tpu.memory_space<vmem_shared>> -> memref<32x1024xf32, #tpu.memory_space<vmem_shared>>
    %dma_start3A_70 = arith.constant 0 : i32
    %dma_start3A_71 = tpu.memref_slice %arg2[%add3A_64, %dma_start3A_70] : memref<8192x1024xf32, #tpu.memory_space<hbm>> -> memref<32x1024xf32, #tpu.memory_space<hbm>>
    tpu.enqueue_dma source(%dma_start3A_71 : memref<32x1024xf32, #tpu.memory_space<hbm>>) target(%dma_start3A_69 : memref<32x1024xf32, #tpu.memory_space<vmem_shared>>) target_semaphore(%arg12 : memref<!tpu.dma_semaphore, #tpu.memory_space<semaphore_mem>>)
    %dma_wait3A_72 = arith.constant 0 : i32
    %dma_wait3A_73 = tpu.memref_slice %arg2[%add3A_6, %dma_wait3A_72] : memref<8192x1024xf32, #tpu.memory_space<hbm>> -> memref<32x1024xf32, #tpu.memory_space<hbm>>
    %dma_wait3A_74 = arith.constant 0 : i32
    %dma_wait3A_75 = tpu.memref_slice %arg2[%add3A_6, %dma_wait3A_74] : memref<8192x1024xf32, #tpu.memory_space<hbm>> -> memref<32x1024xf32, #tpu.memory_space<hbm>>
    tpu.wait_dma2 semaphore(%arg7 : memref<!tpu.dma_semaphore, #tpu.memory_space<semaphore_mem>>) src(%dma_wait3A_75 : memref<32x1024xf32, #tpu.memory_space<hbm>>) dst(%arg4 : memref<32x1024xf32, #tpu.memory_space<vmem>>)
    %add3A_76 = arith.constant 0 : i32
    %add3A_77 = arith.addi %mul3A_2, %add3A_76 : i32
    %dma_start3A_78 = arith.constant 0 : i32
    %dma_start3A_79 = arith.constant 0 : i32
    %dma_start3A_80 = tpu.memref_slice %arg3[%dma_start3A_78, %add3A_77, %dma_start3A_79] : memref<4x8192x1024xf32, #tpu.memory_space<hbm>> -> memref<1x32x1024xf32, #tpu.memory_space<hbm>>
    %dma_start3A_81 = tpu.memref_squeeze %dma_start3A_80 : memref<1x32x1024xf32, #tpu.memory_space<hbm>> -> memref<32x1024xf32, #tpu.memory_space<hbm>>
    %dma_start3A_82 = arith.constant 0 : i32
    %dma_start3A_83 = tpu.memref_slice %arg3[%dma_start3A_78, %add3A_77, %dma_start3A_82] : memref<4x8192x1024xf32, #tpu.memory_space<hbm>> -> memref<1x32x1024xf32, #tpu.memory_space<hbm>>
    %dma_start3A_84 = tpu.memref_squeeze %dma_start3A_83 : memref<1x32x1024xf32, #tpu.memory_space<hbm>> -> memref<32x1024xf32, #tpu.memory_space<hbm>>
    tpu.enqueue_dma source(%arg4 : memref<32x1024xf32, #tpu.memory_space<vmem>>) target(%dma_start3A_84 : memref<32x1024xf32, #tpu.memory_space<hbm>>) target_semaphore(%arg9 : memref<!tpu.dma_semaphore, #tpu.memory_space<semaphore_mem>>)
    %dma_start3A_85 = arith.constant 1 : i32
    %dma_start3A_86 = arith.constant 0 : i32
    %dma_start3A_87 = tpu.memref_slice %arg3[%dma_start3A_85, %add3A_77, %dma_start3A_86] : memref<4x8192x1024xf32, #tpu.memory_space<hbm>> -> memref<1x32x1024xf32, #tpu.memory_space<hbm>>
    %dma_start3A_88 = tpu.memref_squeeze %dma_start3A_87 : memref<1x32x1024xf32, #tpu.memory_space<hbm>> -> memref<32x1024xf32, #tpu.memory_space<hbm>>
    %dma_start3A_89 = arith.constant 0 : i32
    %dma_start3A_90 = tpu.memref_slice %arg3[%dma_start3A_85, %add3A_77, %dma_start3A_89] : memref<4x8192x1024xf32, #tpu.memory_space<hbm>> -> memref<1x32x1024xf32, #tpu.memory_space<hbm>>
    %dma_start3A_91 = tpu.memref_squeeze %dma_start3A_90 : memref<1x32x1024xf32, #tpu.memory_space<hbm>> -> memref<32x1024xf32, #tpu.memory_space<hbm>>
    tpu.enqueue_dma source(%arg4 : memref<32x1024xf32, #tpu.memory_space<vmem>>) target(%dma_start3A_91 : memref<32x1024xf32, #tpu.memory_space<hbm>>) target_semaphore(%arg9 : memref<!tpu.dma_semaphore, #tpu.memory_space<semaphore_mem>>)
    %dma_start3A_92 = arith.constant 2 : i32
    %dma_start3A_93 = arith.constant 0 : i32
    %dma_start3A_94 = tpu.memref_slice %arg3[%dma_start3A_92, %add3A_77, %dma_start3A_93] : memref<4x8192x1024xf32, #tpu.memory_space<hbm>> -> memref<1x32x1024xf32, #tpu.memory_space<hbm>>
    %dma_start3A_95 = tpu.memref_squeeze %dma_start3A_94 : memref<1x32x1024xf32, #tpu.memory_space<hbm>> -> memref<32x1024xf32, #tpu.memory_space<hbm>>
    %dma_start3A_96 = arith.constant 0 : i32
    %dma_start3A_97 = tpu.memref_slice %arg3[%dma_start3A_92, %add3A_77, %dma_start3A_96] : memref<4x8192x1024xf32, #tpu.memory_space<hbm>> -> memref<1x32x1024xf32, #tpu.memory_space<hbm>>
    %dma_start3A_98 = tpu.memref_squeeze %dma_start3A_97 : memref<1x32x1024xf32, #tpu.memory_space<hbm>> -> memref<32x1024xf32, #tpu.memory_space<hbm>>
    tpu.enqueue_dma source(%arg4 : memref<32x1024xf32, #tpu.memory_space<vmem>>) target(%dma_start3A_98 : memref<32x1024xf32, #tpu.memory_space<hbm>>) target_semaphore(%arg9 : memref<!tpu.dma_semaphore, #tpu.memory_space<semaphore_mem>>)
    %dma_start3A_99 = arith.constant 3 : i32
    %dma_start3A_100 = arith.constant 0 : i32
    %dma_start3A_101 = tpu.memref_slice %arg3[%dma_start3A_99, %add3A_77, %dma_start3A_100] : memref<4x8192x1024xf32, #tpu.memory_space<hbm>> -> memref<1x32x1024xf32, #tpu.memory_space<hbm>>
    %dma_start3A_102 = tpu.memref_squeeze %dma_start3A_101 : memref<1x32x1024xf32, #tpu.memory_space<hbm>> -> memref<32x1024xf32, #tpu.memory_space<hbm>>
    %dma_start3A_103 = arith.constant 0 : i32
    %dma_start3A_104 = tpu.memref_slice %arg3[%dma_start3A_99, %add3A_77, %dma_start3A_103] : memref<4x8192x1024xf32, #tpu.memory_space<hbm>> -> memref<1x32x1024xf32, #tpu.memory_space<hbm>>
    %dma_start3A_105 = tpu.memref_squeeze %dma_start3A_104 : memref<1x32x1024xf32, #tpu.memory_space<hbm>> -> memref<32x1024xf32, #tpu.memory_space<hbm>>
    tpu.enqueue_dma source(%arg4 : memref<32x1024xf32, #tpu.memory_space<vmem>>) target(%dma_start3A_105 : memref<32x1024xf32, #tpu.memory_space<hbm>>) target_semaphore(%arg9 : memref<!tpu.dma_semaphore, #tpu.memory_space<semaphore_mem>>)
    %add3A_106 = arith.constant 32 : i32
    %add3A_107 = arith.addi %mul3A_2, %add3A_106 : i32
    %dma_start3A_108 = arith.constant 0 : i32
    %dma_start3A_109 = tpu.memref_slice %arg2[%add3A_107, %dma_start3A_108] : memref<8192x1024xf32, #tpu.memory_space<hbm>> -> memref<32x1024xf32, #tpu.memory_space<hbm>>
    %dma_start3A_110 = arith.constant 0 : i32
    %dma_start3A_111 = tpu.memref_slice %arg2[%add3A_107, %dma_start3A_110] : memref<8192x1024xf32, #tpu.memory_space<hbm>> -> memref<32x1024xf32, #tpu.memory_space<hbm>>
    tpu.enqueue_dma source(%dma_start3A_111 : memref<32x1024xf32, #tpu.memory_space<hbm>>) target(%arg5 : memref<32x1024xf32, #tpu.memory_space<vmem>>) target_semaphore(%arg8 : memref<!tpu.dma_semaphore, #tpu.memory_space<semaphore_mem>>)
    %dma_wait3A_112 = arith.constant 1 : i32
    %dma_wait3A_113 = arith.constant 0 : i32
    %dma_wait3A_114 = arith.constant 0 : i32
    %dma_wait3A_115 = tpu.memref_slice %arg6[%arg1, %dma_wait3A_112, %dma_wait3A_113, %dma_wait3A_114] : memref<16x2x32x1024xf32, #tpu.memory_space<vmem_shared>> -> memref<1x1x32x1024xf32, #tpu.memory_space<vmem_shared>>
    %dma_wait3A_116 = tpu.memref_squeeze %dma_wait3A_115 : memref<1x1x32x1024xf32, #tpu.memory_space<vmem_shared>> -> memref<32x1024xf32, #tpu.memory_space<vmem_shared>>
    %dma_wait3A_117 = arith.constant 0 : i32
    %dma_wait3A_118 = tpu.memref_slice %arg2[%add3A_64, %dma_wait3A_117] : memref<8192x1024xf32, #tpu.memory_space<hbm>> -> memref<32x1024xf32, #tpu.memory_space<hbm>>
    tpu.wait_dma2 semaphore(%arg12 : memref<!tpu.dma_semaphore, #tpu.memory_space<semaphore_mem>>) src(%dma_wait3A_118 : memref<32x1024xf32, #tpu.memory_space<hbm>>) dst(%dma_wait3A_116 : memref<32x1024xf32, #tpu.memory_space<vmem_shared>>)
    %add3A_119 = arith.constant 32 : i32
    %add3A_120 = arith.addi %add3A_4, %add3A_119 : i32
    %dma_start3A_121 = arith.constant 1 : i32
    %dma_start3A_122 = arith.constant 0 : i32
    %dma_start3A_123 = arith.constant 0 : i32
    %dma_start3A_124 = tpu.memref_slice %arg3[%dma_start3A_122, %add3A_120, %dma_start3A_123] : memref<4x8192x1024xf32, #tpu.memory_space<hbm>> -> memref<1x32x1024xf32, #tpu.memory_space<hbm>>
    %dma_start3A_125 = tpu.memref_squeeze %dma_start3A_124 : memref<1x32x1024xf32, #tpu.memory_space<hbm>> -> memref<32x1024xf32, #tpu.memory_space<hbm>>
    %dma_start3A_126 = arith.constant 0 : i32
    %dma_start3A_127 = arith.constant 0 : i32
    %dma_start3A_128 = tpu.memref_slice %arg6[%arg1, %dma_start3A_121, %dma_start3A_126, %dma_start3A_127] : memref<16x2x32x1024xf32, #tpu.memory_space<vmem_shared>> -> memref<1x1x32x1024xf32, #tpu.memory_space<vmem_shared>>
    %dma_start3A_129 = tpu.memref_squeeze %dma_start3A_128 : memref<1x1x32x1024xf32, #tpu.memory_space<vmem_shared>> -> memref<32x1024xf32, #tpu.memory_space<vmem_shared>>
    tpu.enqueue_dma source(%dma_start3A_129 : memref<32x1024xf32, #tpu.memory_space<vmem_shared>>) target(%dma_start3A_125 : memref<32x1024xf32, #tpu.memory_space<hbm>>) target_semaphore(%arg14 : memref<!tpu.dma_semaphore, #tpu.memory_space<semaphore_mem>>)
    %dma_start3A_130 = arith.constant 1 : i32
    %dma_start3A_131 = arith.constant 1 : i32
    %dma_start3A_132 = arith.constant 0 : i32
    %dma_start3A_133 = tpu.memref_slice %arg3[%dma_start3A_131, %add3A_120, %dma_start3A_132] : memref<4x8192x1024xf32, #tpu.memory_space<hbm>> -> memref<1x32x1024xf32, #tpu.memory_space<hbm>>
    %dma_start3A_134 = tpu.memref_squeeze %dma_start3A_133 : memref<1x32x1024xf32, #tpu.memory_space<hbm>> -> memref<32x1024xf32, #tpu.memory_space<hbm>>
    %dma_start3A_135 = arith.constant 0 : i32
    %dma_start3A_136 = arith.constant 0 : i32
    %dma_start3A_137 = tpu.memref_slice %arg6[%arg1, %dma_start3A_130, %dma_start3A_135, %dma_start3A_136] : memref<16x2x32x1024xf32, #tpu.memory_space<vmem_shared>> -> memref<1x1x32x1024xf32, #tpu.memory_space<vmem_shared>>
    %dma_start3A_138 = tpu.memref_squeeze %dma_start3A_137 : memref<1x1x32x1024xf32, #tpu.memory_space<vmem_shared>> -> memref<32x1024xf32, #tpu.memory_space<vmem_shared>>
    tpu.enqueue_dma source(%dma_start3A_138 : memref<32x1024xf32, #tpu.memory_space<vmem_shared>>) target(%dma_start3A_134 : memref<32x1024xf32, #tpu.memory_space<hbm>>) target_semaphore(%arg14 : memref<!tpu.dma_semaphore, #tpu.memory_space<semaphore_mem>>)
    %dma_start3A_139 = arith.constant 1 : i32
    %dma_start3A_140 = arith.constant 2 : i32
    %dma_start3A_141 = arith.constant 0 : i32
    %dma_start3A_142 = tpu.memref_slice %arg3[%dma_start3A_140, %add3A_120, %dma_start3A_141] : memref<4x8192x1024xf32, #tpu.memory_space<hbm>> -> memref<1x32x1024xf32, #tpu.memory_space<hbm>>
    %dma_start3A_143 = tpu.memref_squeeze %dma_start3A_142 : memref<1x32x1024xf32, #tpu.memory_space<hbm>> -> memref<32x1024xf32, #tpu.memory_space<hbm>>
    %dma_start3A_144 = arith.constant 0 : i32
    %dma_start3A_145 = arith.constant 0 : i32
    %dma_start3A_146 = tpu.memref_slice %arg6[%arg1, %dma_start3A_139, %dma_start3A_144, %dma_start3A_145] : memref<16x2x32x1024xf32, #tpu.memory_space<vmem_shared>> -> memref<1x1x32x1024xf32, #tpu.memory_space<vmem_shared>>
    %dma_start3A_147 = tpu.memref_squeeze %dma_start3A_146 : memref<1x1x32x1024xf32, #tpu.memory_space<vmem_shared>> -> memref<32x1024xf32, #tpu.memory_space<vmem_shared>>
    tpu.enqueue_dma source(%dma_start3A_147 : memref<32x1024xf32, #tpu.memory_space<vmem_shared>>) target(%dma_start3A_143 : memref<32x1024xf32, #tpu.memory_space<hbm>>) target_semaphore(%arg14 : memref<!tpu.dma_semaphore, #tpu.memory_space<semaphore_mem>>)
    %dma_start3A_148 = arith.constant 1 : i32
    %dma_start3A_149 = arith.constant 3 : i32
    %dma_start3A_150 = arith.constant 0 : i32
    %dma_start3A_151 = tpu.memref_slice %arg3[%dma_start3A_149, %add3A_120, %dma_start3A_150] : memref<4x8192x1024xf32, #tpu.memory_space<hbm>> -> memref<1x32x1024xf32, #tpu.memory_space<hbm>>
    %dma_start3A_152 = tpu.memref_squeeze %dma_start3A_151 : memref<1x32x1024xf32, #tpu.memory_space<hbm>> -> memref<32x1024xf32, #tpu.memory_space<hbm>>
    %dma_start3A_153 = arith.constant 0 : i32
    %dma_start3A_154 = arith.constant 0 : i32
    %dma_start3A_155 = tpu.memref_slice %arg6[%arg1, %dma_start3A_148, %dma_start3A_153, %dma_start3A_154] : memref<16x2x32x1024xf32, #tpu.memory_space<vmem_shared>> -> memref<1x1x32x1024xf32, #tpu.memory_space<vmem_shared>>
    %dma_start3A_156 = tpu.memref_squeeze %dma_start3A_155 : memref<1x1x32x1024xf32, #tpu.memory_space<vmem_shared>> -> memref<32x1024xf32, #tpu.memory_space<vmem_shared>>
    tpu.enqueue_dma source(%dma_start3A_156 : memref<32x1024xf32, #tpu.memory_space<vmem_shared>>) target(%dma_start3A_152 : memref<32x1024xf32, #tpu.memory_space<hbm>>) target_semaphore(%arg14 : memref<!tpu.dma_semaphore, #tpu.memory_space<semaphore_mem>>)
    %dma_wait3A_157 = arith.constant 0 : i32
    %dma_wait3A_158 = tpu.memref_slice %arg2[%add3A_107, %dma_wait3A_157] : memref<8192x1024xf32, #tpu.memory_space<hbm>> -> memref<32x1024xf32, #tpu.memory_space<hbm>>
    %dma_wait3A_159 = arith.constant 0 : i32
    %dma_wait3A_160 = tpu.memref_slice %arg2[%add3A_107, %dma_wait3A_159] : memref<8192x1024xf32, #tpu.memory_space<hbm>> -> memref<32x1024xf32, #tpu.memory_space<hbm>>
    tpu.wait_dma2 semaphore(%arg8 : memref<!tpu.dma_semaphore, #tpu.memory_space<semaphore_mem>>) src(%dma_wait3A_160 : memref<32x1024xf32, #tpu.memory_space<hbm>>) dst(%arg5 : memref<32x1024xf32, #tpu.memory_space<vmem>>)
    %add3A_161 = arith.constant 32 : i32
    %add3A_162 = arith.addi %mul3A_2, %add3A_161 : i32
    %dma_start3A_163 = arith.constant 0 : i32
    %dma_start3A_164 = arith.constant 0 : i32
    %dma_start3A_165 = tpu.memref_slice %arg3[%dma_start3A_163, %add3A_162, %dma_start3A_164] : memref<4x8192x1024xf32, #tpu.memory_space<hbm>> -> memref<1x32x1024xf32, #tpu.memory_space<hbm>>
    %dma_start3A_166 = tpu.memref_squeeze %dma_start3A_165 : memref<1x32x1024xf32, #tpu.memory_space<hbm>> -> memref<32x1024xf32, #tpu.memory_space<hbm>>
    %dma_start3A_167 = arith.constant 0 : i32
    %dma_start3A_168 = tpu.memref_slice %arg3[%dma_start3A_163, %add3A_162, %dma_start3A_167] : memref<4x8192x1024xf32, #tpu.memory_space<hbm>> -> memref<1x32x1024xf32, #tpu.memory_space<hbm>>
    %dma_start3A_169 = tpu.memref_squeeze %dma_start3A_168 : memref<1x32x1024xf32, #tpu.memory_space<hbm>> -> memref<32x1024xf32, #tpu.memory_space<hbm>>
    tpu.enqueue_dma source(%arg5 : memref<32x1024xf32, #tpu.memory_space<vmem>>) target(%dma_start3A_169 : memref<32x1024xf32, #tpu.memory_space<hbm>>) target_semaphore(%arg10 : memref<!tpu.dma_semaphore, #tpu.memory_space<semaphore_mem>>)
    %dma_start3A_170 = arith.constant 1 : i32
    %dma_start3A_171 = arith.constant 0 : i32
    %dma_start3A_172 = tpu.memref_slice %arg3[%dma_start3A_170, %add3A_162, %dma_start3A_171] : memref<4x8192x1024xf32, #tpu.memory_space<hbm>> -> memref<1x32x1024xf32, #tpu.memory_space<hbm>>
    %dma_start3A_173 = tpu.memref_squeeze %dma_start3A_172 : memref<1x32x1024xf32, #tpu.memory_space<hbm>> -> memref<32x1024xf32, #tpu.memory_space<hbm>>
    %dma_start3A_174 = arith.constant 0 : i32
    %dma_start3A_175 = tpu.memref_slice %arg3[%dma_start3A_170, %add3A_162, %dma_start3A_174] : memref<4x8192x1024xf32, #tpu.memory_space<hbm>> -> memref<1x32x1024xf32, #tpu.memory_space<hbm>>
    %dma_start3A_176 = tpu.memref_squeeze %dma_start3A_175 : memref<1x32x1024xf32, #tpu.memory_space<hbm>> -> memref<32x1024xf32, #tpu.memory_space<hbm>>
    tpu.enqueue_dma source(%arg5 : memref<32x1024xf32, #tpu.memory_space<vmem>>) target(%dma_start3A_176 : memref<32x1024xf32, #tpu.memory_space<hbm>>) target_semaphore(%arg10 : memref<!tpu.dma_semaphore, #tpu.memory_space<semaphore_mem>>)
    %dma_start3A_177 = arith.constant 2 : i32
    %dma_start3A_178 = arith.constant 0 : i32
    %dma_start3A_179 = tpu.memref_slice %arg3[%dma_start3A_177, %add3A_162, %dma_start3A_178] : memref<4x8192x1024xf32, #tpu.memory_space<hbm>> -> memref<1x32x1024xf32, #tpu.memory_space<hbm>>
    %dma_start3A_180 = tpu.memref_squeeze %dma_start3A_179 : memref<1x32x1024xf32, #tpu.memory_space<hbm>> -> memref<32x1024xf32, #tpu.memory_space<hbm>>
    %dma_start3A_181 = arith.constant 0 : i32
    %dma_start3A_182 = tpu.memref_slice %arg3[%dma_start3A_177, %add3A_162, %dma_start3A_181] : memref<4x8192x1024xf32, #tpu.memory_space<hbm>> -> memref<1x32x1024xf32, #tpu.memory_space<hbm>>
    %dma_start3A_183 = tpu.memref_squeeze %dma_start3A_182 : memref<1x32x1024xf32, #tpu.memory_space<hbm>> -> memref<32x1024xf32, #tpu.memory_space<hbm>>
    tpu.enqueue_dma source(%arg5 : memref<32x1024xf32, #tpu.memory_space<vmem>>) target(%dma_start3A_183 : memref<32x1024xf32, #tpu.memory_space<hbm>>) target_semaphore(%arg10 : memref<!tpu.dma_semaphore, #tpu.memory_space<semaphore_mem>>)
    %dma_start3A_184 = arith.constant 3 : i32
    %dma_start3A_185 = arith.constant 0 : i32
    %dma_start3A_186 = tpu.memref_slice %arg3[%dma_start3A_184, %add3A_162, %dma_start3A_185] : memref<4x8192x1024xf32, #tpu.memory_space<hbm>> -> memref<1x32x1024xf32, #tpu.memory_space<hbm>>
    %dma_start3A_187 = tpu.memref_squeeze %dma_start3A_186 : memref<1x32x1024xf32, #tpu.memory_space<hbm>> -> memref<32x1024xf32, #tpu.memory_space<hbm>>
    %dma_start3A_188 = arith.constant 0 : i32
    %dma_start3A_189 = tpu.memref_slice %arg3[%dma_start3A_184, %add3A_162, %dma_start3A_188] : memref<4x8192x1024xf32, #tpu.memory_space<hbm>> -> memref<1x32x1024xf32, #tpu.memory_space<hbm>>
    %dma_start3A_190 = tpu.memref_squeeze %dma_start3A_189 : memref<1x32x1024xf32, #tpu.memory_space<hbm>> -> memref<32x1024xf32, #tpu.memory_space<hbm>>
    tpu.enqueue_dma source(%arg5 : memref<32x1024xf32, #tpu.memory_space<vmem>>) target(%dma_start3A_190 : memref<32x1024xf32, #tpu.memory_space<hbm>>) target_semaphore(%arg10 : memref<!tpu.dma_semaphore, #tpu.memory_space<semaphore_mem>>)
    %dma_wait3A_191 = arith.constant 0 : i32
    %dma_wait3A_192 = arith.constant 0 : i32
    %dma_wait3A_193 = tpu.memref_slice %arg3[%dma_wait3A_191, %add3A_77, %dma_wait3A_192] : memref<4x8192x1024xf32, #tpu.memory_space<hbm>> -> memref<1x32x1024xf32, #tpu.memory_space<hbm>>
    %dma_wait3A_194 = tpu.memref_squeeze %dma_wait3A_193 : memref<1x32x1024xf32, #tpu.memory_space<hbm>> -> memref<32x1024xf32, #tpu.memory_space<hbm>>
    %dma_wait3A_195 = arith.constant 0 : i32
    %dma_wait3A_196 = tpu.memref_slice %arg3[%dma_wait3A_191, %add3A_77, %dma_wait3A_195] : memref<4x8192x1024xf32, #tpu.memory_space<hbm>> -> memref<1x32x1024xf32, #tpu.memory_space<hbm>>
    %dma_wait3A_197 = tpu.memref_squeeze %dma_wait3A_196 : memref<1x32x1024xf32, #tpu.memory_space<hbm>> -> memref<32x1024xf32, #tpu.memory_space<hbm>>
    tpu.wait_dma2 semaphore(%arg9 : memref<!tpu.dma_semaphore, #tpu.memory_space<semaphore_mem>>) src(%arg4 : memref<32x1024xf32, #tpu.memory_space<vmem>>) dst(%dma_wait3A_197 : memref<32x1024xf32, #tpu.memory_space<hbm>>)
    %dma_wait3A_198 = arith.constant 1 : i32
    %dma_wait3A_199 = arith.constant 0 : i32
    %dma_wait3A_200 = tpu.memref_slice %arg3[%dma_wait3A_198, %add3A_77, %dma_wait3A_199] : memref<4x8192x1024xf32, #tpu.memory_space<hbm>> -> memref<1x32x1024xf32, #tpu.memory_space<hbm>>
    %dma_wait3A_201 = tpu.memref_squeeze %dma_wait3A_200 : memref<1x32x1024xf32, #tpu.memory_space<hbm>> -> memref<32x1024xf32, #tpu.memory_space<hbm>>
    %dma_wait3A_202 = arith.constant 0 : i32
    %dma_wait3A_203 = tpu.memref_slice %arg3[%dma_wait3A_198, %add3A_77, %dma_wait3A_202] : memref<4x8192x1024xf32, #tpu.memory_space<hbm>> -> memref<1x32x1024xf32, #tpu.memory_space<hbm>>
    %dma_wait3A_204 = tpu.memref_squeeze %dma_wait3A_203 : memref<1x32x1024xf32, #tpu.memory_space<hbm>> -> memref<32x1024xf32, #tpu.memory_space<hbm>>
    tpu.wait_dma2 semaphore(%arg9 : memref<!tpu.dma_semaphore, #tpu.memory_space<semaphore_mem>>) src(%arg4 : memref<32x1024xf32, #tpu.memory_space<vmem>>) dst(%dma_wait3A_204 : memref<32x1024xf32, #tpu.memory_space<hbm>>)
    %dma_wait3A_205 = arith.constant 2 : i32
    %dma_wait3A_206 = arith.constant 0 : i32
    %dma_wait3A_207 = tpu.memref_slice %arg3[%dma_wait3A_205, %add3A_77, %dma_wait3A_206] : memref<4x8192x1024xf32, #tpu.memory_space<hbm>> -> memref<1x32x1024xf32, #tpu.memory_space<hbm>>
    %dma_wait3A_208 = tpu.memref_squeeze %dma_wait3A_207 : memref<1x32x1024xf32, #tpu.memory_space<hbm>> -> memref<32x1024xf32, #tpu.memory_space<hbm>>
    %dma_wait3A_209 = arith.constant 0 : i32
    %dma_wait3A_210 = tpu.memref_slice %arg3[%dma_wait3A_205, %add3A_77, %dma_wait3A_209] : memref<4x8192x1024xf32, #tpu.memory_space<hbm>> -> memref<1x32x1024xf32, #tpu.memory_space<hbm>>
    %dma_wait3A_211 = tpu.memref_squeeze %dma_wait3A_210 : memref<1x32x1024xf32, #tpu.memory_space<hbm>> -> memref<32x1024xf32, #tpu.memory_space<hbm>>
    tpu.wait_dma2 semaphore(%arg9 : memref<!tpu.dma_semaphore, #tpu.memory_space<semaphore_mem>>) src(%arg4 : memref<32x1024xf32, #tpu.memory_space<vmem>>) dst(%dma_wait3A_211 : memref<32x1024xf32, #tpu.memory_space<hbm>>)
    %dma_wait3A_212 = arith.constant 3 : i32
    %dma_wait3A_213 = arith.constant 0 : i32
    %dma_wait3A_214 = tpu.memref_slice %arg3[%dma_wait3A_212, %add3A_77, %dma_wait3A_213] : memref<4x8192x1024xf32, #tpu.memory_space<hbm>> -> memref<1x32x1024xf32, #tpu.memory_space<hbm>>
    %dma_wait3A_215 = tpu.memref_squeeze %dma_wait3A_214 : memref<1x32x1024xf32, #tpu.memory_space<hbm>> -> memref<32x1024xf32, #tpu.memory_space<hbm>>
    %dma_wait3A_216 = arith.constant 0 : i32
    %dma_wait3A_217 = tpu.memref_slice %arg3[%dma_wait3A_212, %add3A_77, %dma_wait3A_216] : memref<4x8192x1024xf32, #tpu.memory_space<hbm>> -> memref<1x32x1024xf32, #tpu.memory_space<hbm>>
    %dma_wait3A_218 = tpu.memref_squeeze %dma_wait3A_217 : memref<1x32x1024xf32, #tpu.memory_space<hbm>> -> memref<32x1024xf32, #tpu.memory_space<hbm>>
    tpu.wait_dma2 semaphore(%arg9 : memref<!tpu.dma_semaphore, #tpu.memory_space<semaphore_mem>>) src(%arg4 : memref<32x1024xf32, #tpu.memory_space<vmem>>) dst(%dma_wait3A_218 : memref<32x1024xf32, #tpu.memory_space<hbm>>)
    %add3A_219 = arith.constant 64 : i32
    %add3A_220 = arith.addi %mul3A_2, %add3A_219 : i32
    %dma_start3A_221 = arith.constant 0 : i32
    %dma_start3A_222 = tpu.memref_slice %arg2[%add3A_220, %dma_start3A_221] : memref<8192x1024xf32, #tpu.memory_space<hbm>> -> memref<32x1024xf32, #tpu.memory_space<hbm>>
    %dma_start3A_223 = arith.constant 0 : i32
    %dma_start3A_224 = tpu.memref_slice %arg2[%add3A_220, %dma_start3A_223] : memref<8192x1024xf32, #tpu.memory_space<hbm>> -> memref<32x1024xf32, #tpu.memory_space<hbm>>
    tpu.enqueue_dma source(%dma_start3A_224 : memref<32x1024xf32, #tpu.memory_space<hbm>>) target(%arg4 : memref<32x1024xf32, #tpu.memory_space<vmem>>) target_semaphore(%arg7 : memref<!tpu.dma_semaphore, #tpu.memory_space<semaphore_mem>>)
    %dma_wait3A_225 = arith.constant 0 : i32
    %dma_wait3A_226 = tpu.memref_slice %arg2[%add3A_220, %dma_wait3A_225] : memref<8192x1024xf32, #tpu.memory_space<hbm>> -> memref<32x1024xf32, #tpu.memory_space<hbm>>
    %dma_wait3A_227 = arith.constant 0 : i32
    %dma_wait3A_228 = tpu.memref_slice %arg2[%add3A_220, %dma_wait3A_227] : memref<8192x1024xf32, #tpu.memory_space<hbm>> -> memref<32x1024xf32, #tpu.memory_space<hbm>>
    tpu.wait_dma2 semaphore(%arg7 : memref<!tpu.dma_semaphore, #tpu.memory_space<semaphore_mem>>) src(%dma_wait3A_228 : memref<32x1024xf32, #tpu.memory_space<hbm>>) dst(%arg4 : memref<32x1024xf32, #tpu.memory_space<vmem>>)
    %add3A_229 = arith.constant 64 : i32
    %add3A_230 = arith.addi %mul3A_2, %add3A_229 : i32
    %dma_start3A_231 = arith.constant 0 : i32
    %dma_start3A_232 = arith.constant 0 : i32
    %dma_start3A_233 = tpu.memref_slice %arg3[%dma_start3A_231, %add3A_230, %dma_start3A_232] : memref<4x8192x1024xf32, #tpu.memory_space<hbm>> -> memref<1x32x1024xf32, #tpu.memory_space<hbm>>
    %dma_start3A_234 = tpu.memref_squeeze %dma_start3A_233 : memref<1x32x1024xf32, #tpu.memory_space<hbm>> -> memref<32x1024xf32, #tpu.memory_space<hbm>>
    %dma_start3A_235 = arith.constant 0 : i32
    %dma_start3A_236 = tpu.memref_slice %arg3[%dma_start3A_231, %add3A_230, %dma_start3A_235] : memref<4x8192x1024xf32, #tpu.memory_space<hbm>> -> memref<1x32x1024xf32, #tpu.memory_space<hbm>>
    %dma_start3A_237 = tpu.memref_squeeze %dma_start3A_236 : memref<1x32x1024xf32, #tpu.memory_space<hbm>> -> memref<32x1024xf32, #tpu.memory_space<hbm>>
    tpu.enqueue_dma source(%arg4 : memref<32x1024xf32, #tpu.memory_space<vmem>>) target(%dma_start3A_237 : memref<32x1024xf32, #tpu.memory_space<hbm>>) target_semaphore(%arg9 : memref<!tpu.dma_semaphore, #tpu.memory_space<semaphore_mem>>)
    %dma_start3A_238 = arith.constant 1 : i32
    %dma_start3A_239 = arith.constant 0 : i32
    %dma_start3A_240 = tpu.memref_slice %arg3[%dma_start3A_238, %add3A_230, %dma_start3A_239] : memref<4x8192x1024xf32, #tpu.memory_space<hbm>> -> memref<1x32x1024xf32, #tpu.memory_space<hbm>>
    %dma_start3A_241 = tpu.memref_squeeze %dma_start3A_240 : memref<1x32x1024xf32, #tpu.memory_space<hbm>> -> memref<32x1024xf32, #tpu.memory_space<hbm>>
    %dma_start3A_242 = arith.constant 0 : i32
    %dma_start3A_243 = tpu.memref_slice %arg3[%dma_start3A_238, %add3A_230, %dma_start3A_242] : memref<4x8192x1024xf32, #tpu.memory_space<hbm>> -> memref<1x32x1024xf32, #tpu.memory_space<hbm>>
    %dma_start3A_244 = tpu.memref_squeeze %dma_start3A_243 : memref<1x32x1024xf32, #tpu.memory_space<hbm>> -> memref<32x1024xf32, #tpu.memory_space<hbm>>
    tpu.enqueue_dma source(%arg4 : memref<32x1024xf32, #tpu.memory_space<vmem>>) target(%dma_start3A_244 : memref<32x1024xf32, #tpu.memory_space<hbm>>) target_semaphore(%arg9 : memref<!tpu.dma_semaphore, #tpu.memory_space<semaphore_mem>>)
    %dma_start3A_245 = arith.constant 2 : i32
    %dma_start3A_246 = arith.constant 0 : i32
    %dma_start3A_247 = tpu.memref_slice %arg3[%dma_start3A_245, %add3A_230, %dma_start3A_246] : memref<4x8192x1024xf32, #tpu.memory_space<hbm>> -> memref<1x32x1024xf32, #tpu.memory_space<hbm>>
    %dma_start3A_248 = tpu.memref_squeeze %dma_start3A_247 : memref<1x32x1024xf32, #tpu.memory_space<hbm>> -> memref<32x1024xf32, #tpu.memory_space<hbm>>
    %dma_start3A_249 = arith.constant 0 : i32
    %dma_start3A_250 = tpu.memref_slice %arg3[%dma_start3A_245, %add3A_230, %dma_start3A_249] : memref<4x8192x1024xf32, #tpu.memory_space<hbm>> -> memref<1x32x1024xf32, #tpu.memory_space<hbm>>
    %dma_start3A_251 = tpu.memref_squeeze %dma_start3A_250 : memref<1x32x1024xf32, #tpu.memory_space<hbm>> -> memref<32x1024xf32, #tpu.memory_space<hbm>>
    tpu.enqueue_dma source(%arg4 : memref<32x1024xf32, #tpu.memory_space<vmem>>) target(%dma_start3A_251 : memref<32x1024xf32, #tpu.memory_space<hbm>>) target_semaphore(%arg9 : memref<!tpu.dma_semaphore, #tpu.memory_space<semaphore_mem>>)
    %dma_start3A_252 = arith.constant 3 : i32
    %dma_start3A_253 = arith.constant 0 : i32
    %dma_start3A_254 = tpu.memref_slice %arg3[%dma_start3A_252, %add3A_230, %dma_start3A_253] : memref<4x8192x1024xf32, #tpu.memory_space<hbm>> -> memref<1x32x1024xf32, #tpu.memory_space<hbm>>
    %dma_start3A_255 = tpu.memref_squeeze %dma_start3A_254 : memref<1x32x1024xf32, #tpu.memory_space<hbm>> -> memref<32x1024xf32, #tpu.memory_space<hbm>>
    %dma_start3A_256 = arith.constant 0 : i32
    %dma_start3A_257 = tpu.memref_slice %arg3[%dma_start3A_252, %add3A_230, %dma_start3A_256] : memref<4x8192x1024xf32, #tpu.memory_space<hbm>> -> memref<1x32x1024xf32, #tpu.memory_space<hbm>>
    %dma_start3A_258 = tpu.memref_squeeze %dma_start3A_257 : memref<1x32x1024xf32, #tpu.memory_space<hbm>> -> memref<32x1024xf32, #tpu.memory_space<hbm>>
    tpu.enqueue_dma source(%arg4 : memref<32x1024xf32, #tpu.memory_space<vmem>>) target(%dma_start3A_258 : memref<32x1024xf32, #tpu.memory_space<hbm>>) target_semaphore(%arg9 : memref<!tpu.dma_semaphore, #tpu.memory_space<semaphore_mem>>)
    %dma_wait3A_259 = arith.constant 0 : i32
    %dma_wait3A_260 = arith.constant 0 : i32
    %dma_wait3A_261 = tpu.memref_slice %arg3[%dma_wait3A_259, %add3A_162, %dma_wait3A_260] : memref<4x8192x1024xf32, #tpu.memory_space<hbm>> -> memref<1x32x1024xf32, #tpu.memory_space<hbm>>
    %dma_wait3A_262 = tpu.memref_squeeze %dma_wait3A_261 : memref<1x32x1024xf32, #tpu.memory_space<hbm>> -> memref<32x1024xf32, #tpu.memory_space<hbm>>
    %dma_wait3A_263 = arith.constant 0 : i32
    %dma_wait3A_264 = tpu.memref_slice %arg3[%dma_wait3A_259, %add3A_162, %dma_wait3A_263] : memref<4x8192x1024xf32, #tpu.memory_space<hbm>> -> memref<1x32x1024xf32, #tpu.memory_space<hbm>>
    %dma_wait3A_265 = tpu.memref_squeeze %dma_wait3A_264 : memref<1x32x1024xf32, #tpu.memory_space<hbm>> -> memref<32x1024xf32, #tpu.memory_space<hbm>>
    tpu.wait_dma2 semaphore(%arg10 : memref<!tpu.dma_semaphore, #tpu.memory_space<semaphore_mem>>) src(%arg5 : memref<32x1024xf32, #tpu.memory_space<vmem>>) dst(%dma_wait3A_265 : memref<32x1024xf32, #tpu.memory_space<hbm>>)
    %dma_wait3A_266 = arith.constant 1 : i32
    %dma_wait3A_267 = arith.constant 0 : i32
    %dma_wait3A_268 = tpu.memref_slice %arg3[%dma_wait3A_266, %add3A_162, %dma_wait3A_267] : memref<4x8192x1024xf32, #tpu.memory_space<hbm>> -> memref<1x32x1024xf32, #tpu.memory_space<hbm>>
    %dma_wait3A_269 = tpu.memref_squeeze %dma_wait3A_268 : memref<1x32x1024xf32, #tpu.memory_space<hbm>> -> memref<32x1024xf32, #tpu.memory_space<hbm>>
    %dma_wait3A_270 = arith.constant 0 : i32
    %dma_wait3A_271 = tpu.memref_slice %arg3[%dma_wait3A_266, %add3A_162, %dma_wait3A_270] : memref<4x8192x1024xf32, #tpu.memory_space<hbm>> -> memref<1x32x1024xf32, #tpu.memory_space<hbm>>
    %dma_wait3A_272 = tpu.memref_squeeze %dma_wait3A_271 : memref<1x32x1024xf32, #tpu.memory_space<hbm>> -> memref<32x1024xf32, #tpu.memory_space<hbm>>
    tpu.wait_dma2 semaphore(%arg10 : memref<!tpu.dma_semaphore, #tpu.memory_space<semaphore_mem>>) src(%arg5 : memref<32x1024xf32, #tpu.memory_space<vmem>>) dst(%dma_wait3A_272 : memref<32x1024xf32, #tpu.memory_space<hbm>>)
    %dma_wait3A_273 = arith.constant 2 : i32
    %dma_wait3A_274 = arith.constant 0 : i32
    %dma_wait3A_275 = tpu.memref_slice %arg3[%dma_wait3A_273, %add3A_162, %dma_wait3A_274] : memref<4x8192x1024xf32, #tpu.memory_space<hbm>> -> memref<1x32x1024xf32, #tpu.memory_space<hbm>>
    %dma_wait3A_276 = tpu.memref_squeeze %dma_wait3A_275 : memref<1x32x1024xf32, #tpu.memory_space<hbm>> -> memref<32x1024xf32, #tpu.memory_space<hbm>>
    %dma_wait3A_277 = arith.constant 0 : i32
    %dma_wait3A_278 = tpu.memref_slice %arg3[%dma_wait3A_273, %add3A_162, %dma_wait3A_277] : memref<4x8192x1024xf32, #tpu.memory_space<hbm>> -> memref<1x32x1024xf32, #tpu.memory_space<hbm>>
    %dma_wait3A_279 = tpu.memref_squeeze %dma_wait3A_278 : memref<1x32x1024xf32, #tpu.memory_space<hbm>> -> memref<32x1024xf32, #tpu.memory_space<hbm>>
    tpu.wait_dma2 semaphore(%arg10 : memref<!tpu.dma_semaphore, #tpu.memory_space<semaphore_mem>>) src(%arg5 : memref<32x1024xf32, #tpu.memory_space<vmem>>) dst(%dma_wait3A_279 : memref<32x1024xf32, #tpu.memory_space<hbm>>)
    %dma_wait3A_280 = arith.constant 3 : i32
    %dma_wait3A_281 = arith.constant 0 : i32
    %dma_wait3A_282 = tpu.memref_slice %arg3[%dma_wait3A_280, %add3A_162, %dma_wait3A_281] : memref<4x8192x1024xf32, #tpu.memory_space<hbm>> -> memref<1x32x1024xf32, #tpu.memory_space<hbm>>
    %dma_wait3A_283 = tpu.memref_squeeze %dma_wait3A_282 : memref<1x32x1024xf32, #tpu.memory_space<hbm>> -> memref<32x1024xf32, #tpu.memory_space<hbm>>
    %dma_wait3A_284 = arith.constant 0 : i32
    %dma_wait3A_285 = tpu.memref_slice %arg3[%dma_wait3A_280, %add3A_162, %dma_wait3A_284] : memref<4x8192x1024xf32, #tpu.memory_space<hbm>> -> memref<1x32x1024xf32, #tpu.memory_space<hbm>>
    %dma_wait3A_286 = tpu.memref_squeeze %dma_wait3A_285 : memref<1x32x1024xf32, #tpu.memory_space<hbm>> -> memref<32x1024xf32, #tpu.memory_space<hbm>>
    tpu.wait_dma2 semaphore(%arg10 : memref<!tpu.dma_semaphore, #tpu.memory_space<semaphore_mem>>) src(%arg5 : memref<32x1024xf32, #tpu.memory_space<vmem>>) dst(%dma_wait3A_286 : memref<32x1024xf32, #tpu.memory_space<hbm>>)
    %add3A_287 = arith.constant 96 : i32
    %add3A_288 = arith.addi %mul3A_2, %add3A_287 : i32
    %dma_start3A_289 = arith.constant 0 : i32
    %dma_start3A_290 = tpu.memref_slice %arg2[%add3A_288, %dma_start3A_289] : memref<8192x1024xf32, #tpu.memory_space<hbm>> -> memref<32x1024xf32, #tpu.memory_space<hbm>>
    %dma_start3A_291 = arith.constant 0 : i32
    %dma_start3A_292 = tpu.memref_slice %arg2[%add3A_288, %dma_start3A_291] : memref<8192x1024xf32, #tpu.memory_space<hbm>> -> memref<32x1024xf32, #tpu.memory_space<hbm>>
    tpu.enqueue_dma source(%dma_start3A_292 : memref<32x1024xf32, #tpu.memory_space<hbm>>) target(%arg5 : memref<32x1024xf32, #tpu.memory_space<vmem>>) target_semaphore(%arg8 : memref<!tpu.dma_semaphore, #tpu.memory_space<semaphore_mem>>)
    %dma_wait3A_293 = arith.constant 0 : i32
    %dma_wait3A_294 = tpu.memref_slice %arg2[%add3A_288, %dma_wait3A_293] : memref<8192x1024xf32, #tpu.memory_space<hbm>> -> memref<32x1024xf32, #tpu.memory_space<hbm>>
    %dma_wait3A_295 = arith.constant 0 : i32
    %dma_wait3A_296 = tpu.memref_slice %arg2[%add3A_288, %dma_wait3A_295] : memref<8192x1024xf32, #tpu.memory_space<hbm>> -> memref<32x1024xf32, #tpu.memory_space<hbm>>
    tpu.wait_dma2 semaphore(%arg8 : memref<!tpu.dma_semaphore, #tpu.memory_space<semaphore_mem>>) src(%dma_wait3A_296 : memref<32x1024xf32, #tpu.memory_space<hbm>>) dst(%arg5 : memref<32x1024xf32, #tpu.memory_space<vmem>>)
    %add3A_297 = arith.constant 96 : i32
    %add3A_298 = arith.addi %mul3A_2, %add3A_297 : i32
    %dma_start3A_299 = arith.constant 0 : i32
    %dma_start3A_300 = arith.constant 0 : i32
    %dma_start3A_301 = tpu.memref_slice %arg3[%dma_start3A_299, %add3A_298, %dma_start3A_300] : memref<4x8192x1024xf32, #tpu.memory_space<hbm>> -> memref<1x32x1024xf32, #tpu.memory_space<hbm>>
    %dma_start3A_302 = tpu.memref_squeeze %dma_start3A_301 : memref<1x32x1024xf32, #tpu.memory_space<hbm>> -> memref<32x1024xf32, #tpu.memory_space<hbm>>
    %dma_start3A_303 = arith.constant 0 : i32
    %dma_start3A_304 = tpu.memref_slice %arg3[%dma_start3A_299, %add3A_298, %dma_start3A_303] : memref<4x8192x1024xf32, #tpu.memory_space<hbm>> -> memref<1x32x1024xf32, #tpu.memory_space<hbm>>
    %dma_start3A_305 = tpu.memref_squeeze %dma_start3A_304 : memref<1x32x1024xf32, #tpu.memory_space<hbm>> -> memref<32x1024xf32, #tpu.memory_space<hbm>>
    tpu.enqueue_dma source(%arg5 : memref<32x1024xf32, #tpu.memory_space<vmem>>) target(%dma_start3A_305 : memref<32x1024xf32, #tpu.memory_space<hbm>>) target_semaphore(%arg10 : memref<!tpu.dma_semaphore, #tpu.memory_space<semaphore_mem>>)
    %dma_start3A_306 = arith.constant 1 : i32
    %dma_start3A_307 = arith.constant 0 : i32
    %dma_start3A_308 = tpu.memref_slice %arg3[%dma_start3A_306, %add3A_298, %dma_start3A_307] : memref<4x8192x1024xf32, #tpu.memory_space<hbm>> -> memref<1x32x1024xf32, #tpu.memory_space<hbm>>
    %dma_start3A_309 = tpu.memref_squeeze %dma_start3A_308 : memref<1x32x1024xf32, #tpu.memory_space<hbm>> -> memref<32x1024xf32, #tpu.memory_space<hbm>>
    %dma_start3A_310 = arith.constant 0 : i32
    %dma_start3A_311 = tpu.memref_slice %arg3[%dma_start3A_306, %add3A_298, %dma_start3A_310] : memref<4x8192x1024xf32, #tpu.memory_space<hbm>> -> memref<1x32x1024xf32, #tpu.memory_space<hbm>>
    %dma_start3A_312 = tpu.memref_squeeze %dma_start3A_311 : memref<1x32x1024xf32, #tpu.memory_space<hbm>> -> memref<32x1024xf32, #tpu.memory_space<hbm>>
    tpu.enqueue_dma source(%arg5 : memref<32x1024xf32, #tpu.memory_space<vmem>>) target(%dma_start3A_312 : memref<32x1024xf32, #tpu.memory_space<hbm>>) target_semaphore(%arg10 : memref<!tpu.dma_semaphore, #tpu.memory_space<semaphore_mem>>)
    %dma_start3A_313 = arith.constant 2 : i32
    %dma_start3A_314 = arith.constant 0 : i32
    %dma_start3A_315 = tpu.memref_slice %arg3[%dma_start3A_313, %add3A_298, %dma_start3A_314] : memref<4x8192x1024xf32, #tpu.memory_space<hbm>> -> memref<1x32x1024xf32, #tpu.memory_space<hbm>>
    %dma_start3A_316 = tpu.memref_squeeze %dma_start3A_315 : memref<1x32x1024xf32, #tpu.memory_space<hbm>> -> memref<32x1024xf32, #tpu.memory_space<hbm>>
    %dma_start3A_317 = arith.constant 0 : i32
    %dma_start3A_318 = tpu.memref_slice %arg3[%dma_start3A_313, %add3A_298, %dma_start3A_317] : memref<4x8192x1024xf32, #tpu.memory_space<hbm>> -> memref<1x32x1024xf32, #tpu.memory_space<hbm>>
    %dma_start3A_319 = tpu.memref_squeeze %dma_start3A_318 : memref<1x32x1024xf32, #tpu.memory_space<hbm>> -> memref<32x1024xf32, #tpu.memory_space<hbm>>
    tpu.enqueue_dma source(%arg5 : memref<32x1024xf32, #tpu.memory_space<vmem>>) target(%dma_start3A_319 : memref<32x1024xf32, #tpu.memory_space<hbm>>) target_semaphore(%arg10 : memref<!tpu.dma_semaphore, #tpu.memory_space<semaphore_mem>>)
    %dma_start3A_320 = arith.constant 3 : i32
    %dma_start3A_321 = arith.constant 0 : i32
    %dma_start3A_322 = tpu.memref_slice %arg3[%dma_start3A_320, %add3A_298, %dma_start3A_321] : memref<4x8192x1024xf32, #tpu.memory_space<hbm>> -> memref<1x32x1024xf32, #tpu.memory_space<hbm>>
    %dma_start3A_323 = tpu.memref_squeeze %dma_start3A_322 : memref<1x32x1024xf32, #tpu.memory_space<hbm>> -> memref<32x1024xf32, #tpu.memory_space<hbm>>
    %dma_start3A_324 = arith.constant 0 : i32
    %dma_start3A_325 = tpu.memref_slice %arg3[%dma_start3A_320, %add3A_298, %dma_start3A_324] : memref<4x8192x1024xf32, #tpu.memory_space<hbm>> -> memref<1x32x1024xf32, #tpu.memory_space<hbm>>
    %dma_start3A_326 = tpu.memref_squeeze %dma_start3A_325 : memref<1x32x1024xf32, #tpu.memory_space<hbm>> -> memref<32x1024xf32, #tpu.memory_space<hbm>>
    tpu.enqueue_dma source(%arg5 : memref<32x1024xf32, #tpu.memory_space<vmem>>) target(%dma_start3A_326 : memref<32x1024xf32, #tpu.memory_space<hbm>>) target_semaphore(%arg10 : memref<!tpu.dma_semaphore, #tpu.memory_space<semaphore_mem>>)
    %dma_wait3A_327 = arith.constant 0 : i32
    %dma_wait3A_328 = arith.constant 0 : i32
    %dma_wait3A_329 = tpu.memref_slice %arg3[%dma_wait3A_327, %add3A_230, %dma_wait3A_328] : memref<4x8192x1024xf32, #tpu.memory_space<hbm>> -> memref<1x32x1024xf32, #tpu.memory_space<hbm>>
    %dma_wait3A_330 = tpu.memref_squeeze %dma_wait3A_329 : memref<1x32x1024xf32, #tpu.memory_space<hbm>> -> memref<32x1024xf32, #tpu.memory_space<hbm>>
    %dma_wait3A_331 = arith.constant 0 : i32
    %dma_wait3A_332 = tpu.memref_slice %arg3[%dma_wait3A_327, %add3A_230, %dma_wait3A_331] : memref<4x8192x1024xf32, #tpu.memory_space<hbm>> -> memref<1x32x1024xf32, #tpu.memory_space<hbm>>
    %dma_wait3A_333 = tpu.memref_squeeze %dma_wait3A_332 : memref<1x32x1024xf32, #tpu.memory_space<hbm>> -> memref<32x1024xf32, #tpu.memory_space<hbm>>
    tpu.wait_dma2 semaphore(%arg9 : memref<!tpu.dma_semaphore, #tpu.memory_space<semaphore_mem>>) src(%arg4 : memref<32x1024xf32, #tpu.memory_space<vmem>>) dst(%dma_wait3A_333 : memref<32x1024xf32, #tpu.memory_space<hbm>>)
    %dma_wait3A_334 = arith.constant 1 : i32
    %dma_wait3A_335 = arith.constant 0 : i32
    %dma_wait3A_336 = tpu.memref_slice %arg3[%dma_wait3A_334, %add3A_230, %dma_wait3A_335] : memref<4x8192x1024xf32, #tpu.memory_space<hbm>> -> memref<1x32x1024xf32, #tpu.memory_space<hbm>>
    %dma_wait3A_337 = tpu.memref_squeeze %dma_wait3A_336 : memref<1x32x1024xf32, #tpu.memory_space<hbm>> -> memref<32x1024xf32, #tpu.memory_space<hbm>>
    %dma_wait3A_338 = arith.constant 0 : i32
    %dma_wait3A_339 = tpu.memref_slice %arg3[%dma_wait3A_334, %add3A_230, %dma_wait3A_338] : memref<4x8192x1024xf32, #tpu.memory_space<hbm>> -> memref<1x32x1024xf32, #tpu.memory_space<hbm>>
    %dma_wait3A_340 = tpu.memref_squeeze %dma_wait3A_339 : memref<1x32x1024xf32, #tpu.memory_space<hbm>> -> memref<32x1024xf32, #tpu.memory_space<hbm>>
    tpu.wait_dma2 semaphore(%arg9 : memref<!tpu.dma_semaphore, #tpu.memory_space<semaphore_mem>>) src(%arg4 : memref<32x1024xf32, #tpu.memory_space<vmem>>) dst(%dma_wait3A_340 : memref<32x1024xf32, #tpu.memory_space<hbm>>)
    %dma_wait3A_341 = arith.constant 2 : i32
    %dma_wait3A_342 = arith.constant 0 : i32
    %dma_wait3A_343 = tpu.memref_slice %arg3[%dma_wait3A_341, %add3A_230, %dma_wait3A_342] : memref<4x8192x1024xf32, #tpu.memory_space<hbm>> -> memref<1x32x1024xf32, #tpu.memory_space<hbm>>
    %dma_wait3A_344 = tpu.memref_squeeze %dma_wait3A_343 : memref<1x32x1024xf32, #tpu.memory_space<hbm>> -> memref<32x1024xf32, #tpu.memory_space<hbm>>
    %dma_wait3A_345 = arith.constant 0 : i32
    %dma_wait3A_346 = tpu.memref_slice %arg3[%dma_wait3A_341, %add3A_230, %dma_wait3A_345] : memref<4x8192x1024xf32, #tpu.memory_space<hbm>> -> memref<1x32x1024xf32, #tpu.memory_space<hbm>>
    %dma_wait3A_347 = tpu.memref_squeeze %dma_wait3A_346 : memref<1x32x1024xf32, #tpu.memory_space<hbm>> -> memref<32x1024xf32, #tpu.memory_space<hbm>>
    tpu.wait_dma2 semaphore(%arg9 : memref<!tpu.dma_semaphore, #tpu.memory_space<semaphore_mem>>) src(%arg4 : memref<32x1024xf32, #tpu.memory_space<vmem>>) dst(%dma_wait3A_347 : memref<32x1024xf32, #tpu.memory_space<hbm>>)
    %dma_wait3A_348 = arith.constant 3 : i32
    %dma_wait3A_349 = arith.constant 0 : i32
    %dma_wait3A_350 = tpu.memref_slice %arg3[%dma_wait3A_348, %add3A_230, %dma_wait3A_349] : memref<4x8192x1024xf32, #tpu.memory_space<hbm>> -> memref<1x32x1024xf32, #tpu.memory_space<hbm>>
    %dma_wait3A_351 = tpu.memref_squeeze %dma_wait3A_350 : memref<1x32x1024xf32, #tpu.memory_space<hbm>> -> memref<32x1024xf32, #tpu.memory_space<hbm>>
    %dma_wait3A_352 = arith.constant 0 : i32
    %dma_wait3A_353 = tpu.memref_slice %arg3[%dma_wait3A_348, %add3A_230, %dma_wait3A_352] : memref<4x8192x1024xf32, #tpu.memory_space<hbm>> -> memref<1x32x1024xf32, #tpu.memory_space<hbm>>
    %dma_wait3A_354 = tpu.memref_squeeze %dma_wait3A_353 : memref<1x32x1024xf32, #tpu.memory_space<hbm>> -> memref<32x1024xf32, #tpu.memory_space<hbm>>
    tpu.wait_dma2 semaphore(%arg9 : memref<!tpu.dma_semaphore, #tpu.memory_space<semaphore_mem>>) src(%arg4 : memref<32x1024xf32, #tpu.memory_space<vmem>>) dst(%dma_wait3A_354 : memref<32x1024xf32, #tpu.memory_space<hbm>>)
    %add3A_355 = arith.constant 128 : i32
    %add3A_356 = arith.addi %mul3A_2, %add3A_355 : i32
    %dma_start3A_357 = arith.constant 0 : i32
    %dma_start3A_358 = tpu.memref_slice %arg2[%add3A_356, %dma_start3A_357] : memref<8192x1024xf32, #tpu.memory_space<hbm>> -> memref<32x1024xf32, #tpu.memory_space<hbm>>
    %dma_start3A_359 = arith.constant 0 : i32
    %dma_start3A_360 = tpu.memref_slice %arg2[%add3A_356, %dma_start3A_359] : memref<8192x1024xf32, #tpu.memory_space<hbm>> -> memref<32x1024xf32, #tpu.memory_space<hbm>>
    tpu.enqueue_dma source(%dma_start3A_360 : memref<32x1024xf32, #tpu.memory_space<hbm>>) target(%arg4 : memref<32x1024xf32, #tpu.memory_space<vmem>>) target_semaphore(%arg7 : memref<!tpu.dma_semaphore, #tpu.memory_space<semaphore_mem>>)
    %dma_wait3A_361 = arith.constant 0 : i32
    %dma_wait3A_362 = tpu.memref_slice %arg2[%add3A_356, %dma_wait3A_361] : memref<8192x1024xf32, #tpu.memory_space<hbm>> -> memref<32x1024xf32, #tpu.memory_space<hbm>>
    %dma_wait3A_363 = arith.constant 0 : i32
    %dma_wait3A_364 = tpu.memref_slice %arg2[%add3A_356, %dma_wait3A_363] : memref<8192x1024xf32, #tpu.memory_space<hbm>> -> memref<32x1024xf32, #tpu.memory_space<hbm>>
    tpu.wait_dma2 semaphore(%arg7 : memref<!tpu.dma_semaphore, #tpu.memory_space<semaphore_mem>>) src(%dma_wait3A_364 : memref<32x1024xf32, #tpu.memory_space<hbm>>) dst(%arg4 : memref<32x1024xf32, #tpu.memory_space<vmem>>)
    %add3A_365 = arith.constant 128 : i32
    %add3A_366 = arith.addi %mul3A_2, %add3A_365 : i32
    %dma_start3A_367 = arith.constant 0 : i32
    %dma_start3A_368 = arith.constant 0 : i32
    %dma_start3A_369 = tpu.memref_slice %arg3[%dma_start3A_367, %add3A_366, %dma_start3A_368] : memref<4x8192x1024xf32, #tpu.memory_space<hbm>> -> memref<1x32x1024xf32, #tpu.memory_space<hbm>>
    %dma_start3A_370 = tpu.memref_squeeze %dma_start3A_369 : memref<1x32x1024xf32, #tpu.memory_space<hbm>> -> memref<32x1024xf32, #tpu.memory_space<hbm>>
    %dma_start3A_371 = arith.constant 0 : i32
    %dma_start3A_372 = tpu.memref_slice %arg3[%dma_start3A_367, %add3A_366, %dma_start3A_371] : memref<4x8192x1024xf32, #tpu.memory_space<hbm>> -> memref<1x32x1024xf32, #tpu.memory_space<hbm>>
    %dma_start3A_373 = tpu.memref_squeeze %dma_start3A_372 : memref<1x32x1024xf32, #tpu.memory_space<hbm>> -> memref<32x1024xf32, #tpu.memory_space<hbm>>
    tpu.enqueue_dma source(%arg4 : memref<32x1024xf32, #tpu.memory_space<vmem>>) target(%dma_start3A_373 : memref<32x1024xf32, #tpu.memory_space<hbm>>) target_semaphore(%arg9 : memref<!tpu.dma_semaphore, #tpu.memory_space<semaphore_mem>>)
    %dma_start3A_374 = arith.constant 1 : i32
    %dma_start3A_375 = arith.constant 0 : i32
    %dma_start3A_376 = tpu.memref_slice %arg3[%dma_start3A_374, %add3A_366, %dma_start3A_375] : memref<4x8192x1024xf32, #tpu.memory_space<hbm>> -> memref<1x32x1024xf32, #tpu.memory_space<hbm>>
    %dma_start3A_377 = tpu.memref_squeeze %dma_start3A_376 : memref<1x32x1024xf32, #tpu.memory_space<hbm>> -> memref<32x1024xf32, #tpu.memory_space<hbm>>
    %dma_start3A_378 = arith.constant 0 : i32
    %dma_start3A_379 = tpu.memref_slice %arg3[%dma_start3A_374, %add3A_366, %dma_start3A_378] : memref<4x8192x1024xf32, #tpu.memory_space<hbm>> -> memref<1x32x1024xf32, #tpu.memory_space<hbm>>
    %dma_start3A_380 = tpu.memref_squeeze %dma_start3A_379 : memref<1x32x1024xf32, #tpu.memory_space<hbm>> -> memref<32x1024xf32, #tpu.memory_space<hbm>>
    tpu.enqueue_dma source(%arg4 : memref<32x1024xf32, #tpu.memory_space<vmem>>) target(%dma_start3A_380 : memref<32x1024xf32, #tpu.memory_space<hbm>>) target_semaphore(%arg9 : memref<!tpu.dma_semaphore, #tpu.memory_space<semaphore_mem>>)
    %dma_start3A_381 = arith.constant 2 : i32
    %dma_start3A_382 = arith.constant 0 : i32
    %dma_start3A_383 = tpu.memref_slice %arg3[%dma_start3A_381, %add3A_366, %dma_start3A_382] : memref<4x8192x1024xf32, #tpu.memory_space<hbm>> -> memref<1x32x1024xf32, #tpu.memory_space<hbm>>
    %dma_start3A_384 = tpu.memref_squeeze %dma_start3A_383 : memref<1x32x1024xf32, #tpu.memory_space<hbm>> -> memref<32x1024xf32, #tpu.memory_space<hbm>>
    %dma_start3A_385 = arith.constant 0 : i32
    %dma_start3A_386 = tpu.memref_slice %arg3[%dma_start3A_381, %add3A_366, %dma_start3A_385] : memref<4x8192x1024xf32, #tpu.memory_space<hbm>> -> memref<1x32x1024xf32, #tpu.memory_space<hbm>>
    %dma_start3A_387 = tpu.memref_squeeze %dma_start3A_386 : memref<1x32x1024xf32, #tpu.memory_space<hbm>> -> memref<32x1024xf32, #tpu.memory_space<hbm>>
    tpu.enqueue_dma source(%arg4 : memref<32x1024xf32, #tpu.memory_space<vmem>>) target(%dma_start3A_387 : memref<32x1024xf32, #tpu.memory_space<hbm>>) target_semaphore(%arg9 : memref<!tpu.dma_semaphore, #tpu.memory_space<semaphore_mem>>)
    %dma_start3A_388 = arith.constant 3 : i32
    %dma_start3A_389 = arith.constant 0 : i32
    %dma_start3A_390 = tpu.memref_slice %arg3[%dma_start3A_388, %add3A_366, %dma_start3A_389] : memref<4x8192x1024xf32, #tpu.memory_space<hbm>> -> memref<1x32x1024xf32, #tpu.memory_space<hbm>>
    %dma_start3A_391 = tpu.memref_squeeze %dma_start3A_390 : memref<1x32x1024xf32, #tpu.memory_space<hbm>> -> memref<32x1024xf32, #tpu.memory_space<hbm>>
    %dma_start3A_392 = arith.constant 0 : i32
    %dma_start3A_393 = tpu.memref_slice %arg3[%dma_start3A_388, %add3A_366, %dma_start3A_392] : memref<4x8192x1024xf32, #tpu.memory_space<hbm>> -> memref<1x32x1024xf32, #tpu.memory_space<hbm>>
    %dma_start3A_394 = tpu.memref_squeeze %dma_start3A_393 : memref<1x32x1024xf32, #tpu.memory_space<hbm>> -> memref<32x1024xf32, #tpu.memory_space<hbm>>
    tpu.enqueue_dma source(%arg4 : memref<32x1024xf32, #tpu.memory_space<vmem>>) target(%dma_start3A_394 : memref<32x1024xf32, #tpu.memory_space<hbm>>) target_semaphore(%arg9 : memref<!tpu.dma_semaphore, #tpu.memory_space<semaphore_mem>>)
    %dma_wait3A_395 = arith.constant 0 : i32
    %dma_wait3A_396 = arith.constant 0 : i32
    %dma_wait3A_397 = tpu.memref_slice %arg3[%dma_wait3A_395, %add3A_298, %dma_wait3A_396] : memref<4x8192x1024xf32, #tpu.memory_space<hbm>> -> memref<1x32x1024xf32, #tpu.memory_space<hbm>>
    %dma_wait3A_398 = tpu.memref_squeeze %dma_wait3A_397 : memref<1x32x1024xf32, #tpu.memory_space<hbm>> -> memref<32x1024xf32, #tpu.memory_space<hbm>>
    %dma_wait3A_399 = arith.constant 0 : i32
    %dma_wait3A_400 = tpu.memref_slice %arg3[%dma_wait3A_395, %add3A_298, %dma_wait3A_399] : memref<4x8192x1024xf32, #tpu.memory_space<hbm>> -> memref<1x32x1024xf32, #tpu.memory_space<hbm>>
    %dma_wait3A_401 = tpu.memref_squeeze %dma_wait3A_400 : memref<1x32x1024xf32, #tpu.memory_space<hbm>> -> memref<32x1024xf32, #tpu.memory_space<hbm>>
    tpu.wait_dma2 semaphore(%arg10 : memref<!tpu.dma_semaphore, #tpu.memory_space<semaphore_mem>>) src(%arg5 : memref<32x1024xf32, #tpu.memory_space<vmem>>) dst(%dma_wait3A_401 : memref<32x1024xf32, #tpu.memory_space<hbm>>)
    %dma_wait3A_402 = arith.constant 1 : i32
    %dma_wait3A_403 = arith.constant 0 : i32
    %dma_wait3A_404 = tpu.memref_slice %arg3[%dma_wait3A_402, %add3A_298, %dma_wait3A_403] : memref<4x8192x1024xf32, #tpu.memory_space<hbm>> -> memref<1x32x1024xf32, #tpu.memory_space<hbm>>
    %dma_wait3A_405 = tpu.memref_squeeze %dma_wait3A_404 : memref<1x32x1024xf32, #tpu.memory_space<hbm>> -> memref<32x1024xf32, #tpu.memory_space<hbm>>
    %dma_wait3A_406 = arith.constant 0 : i32
    %dma_wait3A_407 = tpu.memref_slice %arg3[%dma_wait3A_402, %add3A_298, %dma_wait3A_406] : memref<4x8192x1024xf32, #tpu.memory_space<hbm>> -> memref<1x32x1024xf32, #tpu.memory_space<hbm>>
    %dma_wait3A_408 = tpu.memref_squeeze %dma_wait3A_407 : memref<1x32x1024xf32, #tpu.memory_space<hbm>> -> memref<32x1024xf32, #tpu.memory_space<hbm>>
    tpu.wait_dma2 semaphore(%arg10 : memref<!tpu.dma_semaphore, #tpu.memory_space<semaphore_mem>>) src(%arg5 : memref<32x1024xf32, #tpu.memory_space<vmem>>) dst(%dma_wait3A_408 : memref<32x1024xf32, #tpu.memory_space<hbm>>)
    %dma_wait3A_409 = arith.constant 2 : i32
    %dma_wait3A_410 = arith.constant 0 : i32
    %dma_wait3A_411 = tpu.memref_slice %arg3[%dma_wait3A_409, %add3A_298, %dma_wait3A_410] : memref<4x8192x1024xf32, #tpu.memory_space<hbm>> -> memref<1x32x1024xf32, #tpu.memory_space<hbm>>
    %dma_wait3A_412 = tpu.memref_squeeze %dma_wait3A_411 : memref<1x32x1024xf32, #tpu.memory_space<hbm>> -> memref<32x1024xf32, #tpu.memory_space<hbm>>
    %dma_wait3A_413 = arith.constant 0 : i32
    %dma_wait3A_414 = tpu.memref_slice %arg3[%dma_wait3A_409, %add3A_298, %dma_wait3A_413] : memref<4x8192x1024xf32, #tpu.memory_space<hbm>> -> memref<1x32x1024xf32, #tpu.memory_space<hbm>>
    %dma_wait3A_415 = tpu.memref_squeeze %dma_wait3A_414 : memref<1x32x1024xf32, #tpu.memory_space<hbm>> -> memref<32x1024xf32, #tpu.memory_space<hbm>>
    tpu.wait_dma2 semaphore(%arg10 : memref<!tpu.dma_semaphore, #tpu.memory_space<semaphore_mem>>) src(%arg5 : memref<32x1024xf32, #tpu.memory_space<vmem>>) dst(%dma_wait3A_415 : memref<32x1024xf32, #tpu.memory_space<hbm>>)
    %dma_wait3A_416 = arith.constant 3 : i32
    %dma_wait3A_417 = arith.constant 0 : i32
    %dma_wait3A_418 = tpu.memref_slice %arg3[%dma_wait3A_416, %add3A_298, %dma_wait3A_417] : memref<4x8192x1024xf32, #tpu.memory_space<hbm>> -> memref<1x32x1024xf32, #tpu.memory_space<hbm>>
    %dma_wait3A_419 = tpu.memref_squeeze %dma_wait3A_418 : memref<1x32x1024xf32, #tpu.memory_space<hbm>> -> memref<32x1024xf32, #tpu.memory_space<hbm>>
    %dma_wait3A_420 = arith.constant 0 : i32
    %dma_wait3A_421 = tpu.memref_slice %arg3[%dma_wait3A_416, %add3A_298, %dma_wait3A_420] : memref<4x8192x1024xf32, #tpu.memory_space<hbm>> -> memref<1x32x1024xf32, #tpu.memory_space<hbm>>
    %dma_wait3A_422 = tpu.memref_squeeze %dma_wait3A_421 : memref<1x32x1024xf32, #tpu.memory_space<hbm>> -> memref<32x1024xf32, #tpu.memory_space<hbm>>
    tpu.wait_dma2 semaphore(%arg10 : memref<!tpu.dma_semaphore, #tpu.memory_space<semaphore_mem>>) src(%arg5 : memref<32x1024xf32, #tpu.memory_space<vmem>>) dst(%dma_wait3A_422 : memref<32x1024xf32, #tpu.memory_space<hbm>>)
    %add3A_423 = arith.constant 160 : i32
    %add3A_424 = arith.addi %mul3A_2, %add3A_423 : i32
    %dma_start3A_425 = arith.constant 0 : i32
    %dma_start3A_426 = tpu.memref_slice %arg2[%add3A_424, %dma_start3A_425] : memref<8192x1024xf32, #tpu.memory_space<hbm>> -> memref<32x1024xf32, #tpu.memory_space<hbm>>
    %dma_start3A_427 = arith.constant 0 : i32
    %dma_start3A_428 = tpu.memref_slice %arg2[%add3A_424, %dma_start3A_427] : memref<8192x1024xf32, #tpu.memory_space<hbm>> -> memref<32x1024xf32, #tpu.memory_space<hbm>>
    tpu.enqueue_dma source(%dma_start3A_428 : memref<32x1024xf32, #tpu.memory_space<hbm>>) target(%arg5 : memref<32x1024xf32, #tpu.memory_space<vmem>>) target_semaphore(%arg8 : memref<!tpu.dma_semaphore, #tpu.memory_space<semaphore_mem>>)
    %dma_wait3A_429 = arith.constant 0 : i32
    %dma_wait3A_430 = tpu.memref_slice %arg2[%add3A_424, %dma_wait3A_429] : memref<8192x1024xf32, #tpu.memory_space<hbm>> -> memref<32x1024xf32, #tpu.memory_space<hbm>>
    %dma_wait3A_431 = arith.constant 0 : i32
    %dma_wait3A_432 = tpu.memref_slice %arg2[%add3A_424, %dma_wait3A_431] : memref<8192x1024xf32, #tpu.memory_space<hbm>> -> memref<32x1024xf32, #tpu.memory_space<hbm>>
    tpu.wait_dma2 semaphore(%arg8 : memref<!tpu.dma_semaphore, #tpu.memory_space<semaphore_mem>>) src(%dma_wait3A_432 : memref<32x1024xf32, #tpu.memory_space<hbm>>) dst(%arg5 : memref<32x1024xf32, #tpu.memory_space<vmem>>)
    %add3A_433 = arith.constant 160 : i32
    %add3A_434 = arith.addi %mul3A_2, %add3A_433 : i32
    %dma_start3A_435 = arith.constant 0 : i32
    %dma_start3A_436 = arith.constant 0 : i32
    %dma_start3A_437 = tpu.memref_slice %arg3[%dma_start3A_435, %add3A_434, %dma_start3A_436] : memref<4x8192x1024xf32, #tpu.memory_space<hbm>> -> memref<1x32x1024xf32, #tpu.memory_space<hbm>>
    %dma_start3A_438 = tpu.memref_squeeze %dma_start3A_437 : memref<1x32x1024xf32, #tpu.memory_space<hbm>> -> memref<32x1024xf32, #tpu.memory_space<hbm>>
    %dma_start3A_439 = arith.constant 0 : i32
    %dma_start3A_440 = tpu.memref_slice %arg3[%dma_start3A_435, %add3A_434, %dma_start3A_439] : memref<4x8192x1024xf32, #tpu.memory_space<hbm>> -> memref<1x32x1024xf32, #tpu.memory_space<hbm>>
    %dma_start3A_441 = tpu.memref_squeeze %dma_start3A_440 : memref<1x32x1024xf32, #tpu.memory_space<hbm>> -> memref<32x1024xf32, #tpu.memory_space<hbm>>
    tpu.enqueue_dma source(%arg5 : memref<32x1024xf32, #tpu.memory_space<vmem>>) target(%dma_start3A_441 : memref<32x1024xf32, #tpu.memory_space<hbm>>) target_semaphore(%arg10 : memref<!tpu.dma_semaphore, #tpu.memory_space<semaphore_mem>>)
    %dma_start3A_442 = arith.constant 1 : i32
    %dma_start3A_443 = arith.constant 0 : i32
    %dma_start3A_444 = tpu.memref_slice %arg3[%dma_start3A_442, %add3A_434, %dma_start3A_443] : memref<4x8192x1024xf32, #tpu.memory_space<hbm>> -> memref<1x32x1024xf32, #tpu.memory_space<hbm>>
    %dma_start3A_445 = tpu.memref_squeeze %dma_start3A_444 : memref<1x32x1024xf32, #tpu.memory_space<hbm>> -> memref<32x1024xf32, #tpu.memory_space<hbm>>
    %dma_start3A_446 = arith.constant 0 : i32
    %dma_start3A_447 = tpu.memref_slice %arg3[%dma_start3A_442, %add3A_434, %dma_start3A_446] : memref<4x8192x1024xf32, #tpu.memory_space<hbm>> -> memref<1x32x1024xf32, #tpu.memory_space<hbm>>
    %dma_start3A_448 = tpu.memref_squeeze %dma_start3A_447 : memref<1x32x1024xf32, #tpu.memory_space<hbm>> -> memref<32x1024xf32, #tpu.memory_space<hbm>>
    tpu.enqueue_dma source(%arg5 : memref<32x1024xf32, #tpu.memory_space<vmem>>) target(%dma_start3A_448 : memref<32x1024xf32, #tpu.memory_space<hbm>>) target_semaphore(%arg10 : memref<!tpu.dma_semaphore, #tpu.memory_space<semaphore_mem>>)
    %dma_start3A_449 = arith.constant 2 : i32
    %dma_start3A_450 = arith.constant 0 : i32
    %dma_start3A_451 = tpu.memref_slice %arg3[%dma_start3A_449, %add3A_434, %dma_start3A_450] : memref<4x8192x1024xf32, #tpu.memory_space<hbm>> -> memref<1x32x1024xf32, #tpu.memory_space<hbm>>
    %dma_start3A_452 = tpu.memref_squeeze %dma_start3A_451 : memref<1x32x1024xf32, #tpu.memory_space<hbm>> -> memref<32x1024xf32, #tpu.memory_space<hbm>>
    %dma_start3A_453 = arith.constant 0 : i32
    %dma_start3A_454 = tpu.memref_slice %arg3[%dma_start3A_449, %add3A_434, %dma_start3A_453] : memref<4x8192x1024xf32, #tpu.memory_space<hbm>> -> memref<1x32x1024xf32, #tpu.memory_space<hbm>>
    %dma_start3A_455 = tpu.memref_squeeze %dma_start3A_454 : memref<1x32x1024xf32, #tpu.memory_space<hbm>> -> memref<32x1024xf32, #tpu.memory_space<hbm>>
    tpu.enqueue_dma source(%arg5 : memref<32x1024xf32, #tpu.memory_space<vmem>>) target(%dma_start3A_455 : memref<32x1024xf32, #tpu.memory_space<hbm>>) target_semaphore(%arg10 : memref<!tpu.dma_semaphore, #tpu.memory_space<semaphore_mem>>)
    %dma_start3A_456 = arith.constant 3 : i32
    %dma_start3A_457 = arith.constant 0 : i32
    %dma_start3A_458 = tpu.memref_slice %arg3[%dma_start3A_456, %add3A_434, %dma_start3A_457] : memref<4x8192x1024xf32, #tpu.memory_space<hbm>> -> memref<1x32x1024xf32, #tpu.memory_space<hbm>>
    %dma_start3A_459 = tpu.memref_squeeze %dma_start3A_458 : memref<1x32x1024xf32, #tpu.memory_space<hbm>> -> memref<32x1024xf32, #tpu.memory_space<hbm>>
    %dma_start3A_460 = arith.constant 0 : i32
    %dma_start3A_461 = tpu.memref_slice %arg3[%dma_start3A_456, %add3A_434, %dma_start3A_460] : memref<4x8192x1024xf32, #tpu.memory_space<hbm>> -> memref<1x32x1024xf32, #tpu.memory_space<hbm>>
    %dma_start3A_462 = tpu.memref_squeeze %dma_start3A_461 : memref<1x32x1024xf32, #tpu.memory_space<hbm>> -> memref<32x1024xf32, #tpu.memory_space<hbm>>
    tpu.enqueue_dma source(%arg5 : memref<32x1024xf32, #tpu.memory_space<vmem>>) target(%dma_start3A_462 : memref<32x1024xf32, #tpu.memory_space<hbm>>) target_semaphore(%arg10 : memref<!tpu.dma_semaphore, #tpu.memory_space<semaphore_mem>>)
    %dma_wait3A_463 = arith.constant 0 : i32
    %dma_wait3A_464 = arith.constant 0 : i32
    %dma_wait3A_465 = arith.constant 0 : i32
    %dma_wait3A_466 = tpu.memref_slice %arg3[%dma_wait3A_464, %add3A_26, %dma_wait3A_465] : memref<4x8192x1024xf32, #tpu.memory_space<hbm>> -> memref<1x32x1024xf32, #tpu.memory_space<hbm>>
    %dma_wait3A_467 = tpu.memref_squeeze %dma_wait3A_466 : memref<1x32x1024xf32, #tpu.memory_space<hbm>> -> memref<32x1024xf32, #tpu.memory_space<hbm>>
    %dma_wait3A_468 = arith.constant 0 : i32
    %dma_wait3A_469 = arith.constant 0 : i32
    %dma_wait3A_470 = tpu.memref_slice %arg6[%arg1, %dma_wait3A_463, %dma_wait3A_468, %dma_wait3A_469] : memref<16x2x32x1024xf32, #tpu.memory_space<vmem_shared>> -> memref<1x1x32x1024xf32, #tpu.memory_space<vmem_shared>>
    %dma_wait3A_471 = tpu.memref_squeeze %dma_wait3A_470 : memref<1x1x32x1024xf32, #tpu.memory_space<vmem_shared>> -> memref<32x1024xf32, #tpu.memory_space<vmem_shared>>
    tpu.wait_dma2 semaphore(%arg13 : memref<!tpu.dma_semaphore, #tpu.memory_space<semaphore_mem>>) src(%dma_wait3A_471 : memref<32x1024xf32, #tpu.memory_space<vmem_shared>>) dst(%dma_wait3A_467 : memref<32x1024xf32, #tpu.memory_space<hbm>>)
    %dma_wait3A_472 = arith.constant 0 : i32
    %dma_wait3A_473 = arith.constant 1 : i32
    %dma_wait3A_474 = arith.constant 0 : i32
    %dma_wait3A_475 = tpu.memref_slice %arg3[%dma_wait3A_473, %add3A_26, %dma_wait3A_474] : memref<4x8192x1024xf32, #tpu.memory_space<hbm>> -> memref<1x32x1024xf32, #tpu.memory_space<hbm>>
    %dma_wait3A_476 = tpu.memref_squeeze %dma_wait3A_475 : memref<1x32x1024xf32, #tpu.memory_space<hbm>> -> memref<32x1024xf32, #tpu.memory_space<hbm>>
    %dma_wait3A_477 = arith.constant 0 : i32
    %dma_wait3A_478 = arith.constant 0 : i32
    %dma_wait3A_479 = tpu.memref_slice %arg6[%arg1, %dma_wait3A_472, %dma_wait3A_477, %dma_wait3A_478] : memref<16x2x32x1024xf32, #tpu.memory_space<vmem_shared>> -> memref<1x1x32x1024xf32, #tpu.memory_space<vmem_shared>>
    %dma_wait3A_480 = tpu.memref_squeeze %dma_wait3A_479 : memref<1x1x32x1024xf32, #tpu.memory_space<vmem_shared>> -> memref<32x1024xf32, #tpu.memory_space<vmem_shared>>
    tpu.wait_dma2 semaphore(%arg13 : memref<!tpu.dma_semaphore, #tpu.memory_space<semaphore_mem>>) src(%dma_wait3A_480 : memref<32x1024xf32, #tpu.memory_space<vmem_shared>>) dst(%dma_wait3A_476 : memref<32x1024xf32, #tpu.memory_space<hbm>>)
    %dma_wait3A_481 = arith.constant 0 : i32
    %dma_wait3A_482 = arith.constant 2 : i32
    %dma_wait3A_483 = arith.constant 0 : i32
    %dma_wait3A_484 = tpu.memref_slice %arg3[%dma_wait3A_482, %add3A_26, %dma_wait3A_483] : memref<4x8192x1024xf32, #tpu.memory_space<hbm>> -> memref<1x32x1024xf32, #tpu.memory_space<hbm>>
    %dma_wait3A_485 = tpu.memref_squeeze %dma_wait3A_484 : memref<1x32x1024xf32, #tpu.memory_space<hbm>> -> memref<32x1024xf32, #tpu.memory_space<hbm>>
    %dma_wait3A_486 = arith.constant 0 : i32
    %dma_wait3A_487 = arith.constant 0 : i32
    %dma_wait3A_488 = tpu.memref_slice %arg6[%arg1, %dma_wait3A_481, %dma_wait3A_486, %dma_wait3A_487] : memref<16x2x32x1024xf32, #tpu.memory_space<vmem_shared>> -> memref<1x1x32x1024xf32, #tpu.memory_space<vmem_shared>>
    %dma_wait3A_489 = tpu.memref_squeeze %dma_wait3A_488 : memref<1x1x32x1024xf32, #tpu.memory_space<vmem_shared>> -> memref<32x1024xf32, #tpu.memory_space<vmem_shared>>
    tpu.wait_dma2 semaphore(%arg13 : memref<!tpu.dma_semaphore, #tpu.memory_space<semaphore_mem>>) src(%dma_wait3A_489 : memref<32x1024xf32, #tpu.memory_space<vmem_shared>>) dst(%dma_wait3A_485 : memref<32x1024xf32, #tpu.memory_space<hbm>>)
    %dma_wait3A_490 = arith.constant 0 : i32
    %dma_wait3A_491 = arith.constant 3 : i32
    %dma_wait3A_492 = arith.constant 0 : i32
    %dma_wait3A_493 = tpu.memref_slice %arg3[%dma_wait3A_491, %add3A_26, %dma_wait3A_492] : memref<4x8192x1024xf32, #tpu.memory_space<hbm>> -> memref<1x32x1024xf32, #tpu.memory_space<hbm>>
    %dma_wait3A_494 = tpu.memref_squeeze %dma_wait3A_493 : memref<1x32x1024xf32, #tpu.memory_space<hbm>> -> memref<32x1024xf32, #tpu.memory_space<hbm>>
    %dma_wait3A_495 = arith.constant 0 : i32
    %dma_wait3A_496 = arith.constant 0 : i32
    %dma_wait3A_497 = tpu.memref_slice %arg6[%arg1, %dma_wait3A_490, %dma_wait3A_495, %dma_wait3A_496] : memref<16x2x32x1024xf32, #tpu.memory_space<vmem_shared>> -> memref<1x1x32x1024xf32, #tpu.memory_space<vmem_shared>>
    %dma_wait3A_498 = tpu.memref_squeeze %dma_wait3A_497 : memref<1x1x32x1024xf32, #tpu.memory_space<vmem_shared>> -> memref<32x1024xf32, #tpu.memory_space<vmem_shared>>
    tpu.wait_dma2 semaphore(%arg13 : memref<!tpu.dma_semaphore, #tpu.memory_space<semaphore_mem>>) src(%dma_wait3A_498 : memref<32x1024xf32, #tpu.memory_space<vmem_shared>>) dst(%dma_wait3A_494 : memref<32x1024xf32, #tpu.memory_space<hbm>>)
    %dma_wait3A_499 = arith.constant 1 : i32
    %dma_wait3A_500 = arith.constant 0 : i32
    %dma_wait3A_501 = arith.constant 0 : i32
    %dma_wait3A_502 = tpu.memref_slice %arg3[%dma_wait3A_500, %add3A_120, %dma_wait3A_501] : memref<4x8192x1024xf32, #tpu.memory_space<hbm>> -> memref<1x32x1024xf32, #tpu.memory_space<hbm>>
    %dma_wait3A_503 = tpu.memref_squeeze %dma_wait3A_502 : memref<1x32x1024xf32, #tpu.memory_space<hbm>> -> memref<32x1024xf32, #tpu.memory_space<hbm>>
    %dma_wait3A_504 = arith.constant 0 : i32
    %dma_wait3A_505 = arith.constant 0 : i32
    %dma_wait3A_506 = tpu.memref_slice %arg6[%arg1, %dma_wait3A_499, %dma_wait3A_504, %dma_wait3A_505] : memref<16x2x32x1024xf32, #tpu.memory_space<vmem_shared>> -> memref<1x1x32x1024xf32, #tpu.memory_space<vmem_shared>>
    %dma_wait3A_507 = tpu.memref_squeeze %dma_wait3A_506 : memref<1x1x32x1024xf32, #tpu.memory_space<vmem_shared>> -> memref<32x1024xf32, #tpu.memory_space<vmem_shared>>
    tpu.wait_dma2 semaphore(%arg14 : memref<!tpu.dma_semaphore, #tpu.memory_space<semaphore_mem>>) src(%dma_wait3A_507 : memref<32x1024xf32, #tpu.memory_space<vmem_shared>>) dst(%dma_wait3A_503 : memref<32x1024xf32, #tpu.memory_space<hbm>>)
    %dma_wait3A_508 = arith.constant 1 : i32
    %dma_wait3A_509 = arith.constant 1 : i32
    %dma_wait3A_510 = arith.constant 0 : i32
    %dma_wait3A_511 = tpu.memref_slice %arg3[%dma_wait3A_509, %add3A_120, %dma_wait3A_510] : memref<4x8192x1024xf32, #tpu.memory_space<hbm>> -> memref<1x32x1024xf32, #tpu.memory_space<hbm>>
    %dma_wait3A_512 = tpu.memref_squeeze %dma_wait3A_511 : memref<1x32x1024xf32, #tpu.memory_space<hbm>> -> memref<32x1024xf32, #tpu.memory_space<hbm>>
    %dma_wait3A_513 = arith.constant 0 : i32
    %dma_wait3A_514 = arith.constant 0 : i32
    %dma_wait3A_515 = tpu.memref_slice %arg6[%arg1, %dma_wait3A_508, %dma_wait3A_513, %dma_wait3A_514] : memref<16x2x32x1024xf32, #tpu.memory_space<vmem_shared>> -> memref<1x1x32x1024xf32, #tpu.memory_space<vmem_shared>>
    %dma_wait3A_516 = tpu.memref_squeeze %dma_wait3A_515 : memref<1x1x32x1024xf32, #tpu.memory_space<vmem_shared>> -> memref<32x1024xf32, #tpu.memory_space<vmem_shared>>
    tpu.wait_dma2 semaphore(%arg14 : memref<!tpu.dma_semaphore, #tpu.memory_space<semaphore_mem>>) src(%dma_wait3A_516 : memref<32x1024xf32, #tpu.memory_space<vmem_shared>>) dst(%dma_wait3A_512 : memref<32x1024xf32, #tpu.memory_space<hbm>>)
    %dma_wait3A_517 = arith.constant 1 : i32
    %dma_wait3A_518 = arith.constant 2 : i32
    %dma_wait3A_519 = arith.constant 0 : i32
    %dma_wait3A_520 = tpu.memref_slice %arg3[%dma_wait3A_518, %add3A_120, %dma_wait3A_519] : memref<4x8192x1024xf32, #tpu.memory_space<hbm>> -> memref<1x32x1024xf32, #tpu.memory_space<hbm>>
    %dma_wait3A_521 = tpu.memref_squeeze %dma_wait3A_520 : memref<1x32x1024xf32, #tpu.memory_space<hbm>> -> memref<32x1024xf32, #tpu.memory_space<hbm>>
    %dma_wait3A_522 = arith.constant 0 : i32
    %dma_wait3A_523 = arith.constant 0 : i32
    %dma_wait3A_524 = tpu.memref_slice %arg6[%arg1, %dma_wait3A_517, %dma_wait3A_522, %dma_wait3A_523] : memref<16x2x32x1024xf32, #tpu.memory_space<vmem_shared>> -> memref<1x1x32x1024xf32, #tpu.memory_space<vmem_shared>>
    %dma_wait3A_525 = tpu.memref_squeeze %dma_wait3A_524 : memref<1x1x32x1024xf32, #tpu.memory_space<vmem_shared>> -> memref<32x1024xf32, #tpu.memory_space<vmem_shared>>
    tpu.wait_dma2 semaphore(%arg14 : memref<!tpu.dma_semaphore, #tpu.memory_space<semaphore_mem>>) src(%dma_wait3A_525 : memref<32x1024xf32, #tpu.memory_space<vmem_shared>>) dst(%dma_wait3A_521 : memref<32x1024xf32, #tpu.memory_space<hbm>>)
    %dma_wait3A_526 = arith.constant 1 : i32
    %dma_wait3A_527 = arith.constant 3 : i32
    %dma_wait3A_528 = arith.constant 0 : i32
    %dma_wait3A_529 = tpu.memref_slice %arg3[%dma_wait3A_527, %add3A_120, %dma_wait3A_528] : memref<4x8192x1024xf32, #tpu.memory_space<hbm>> -> memref<1x32x1024xf32, #tpu.memory_space<hbm>>
    %dma_wait3A_530 = tpu.memref_squeeze %dma_wait3A_529 : memref<1x32x1024xf32, #tpu.memory_space<hbm>> -> memref<32x1024xf32, #tpu.memory_space<hbm>>
    %dma_wait3A_531 = arith.constant 0 : i32
    %dma_wait3A_532 = arith.constant 0 : i32
    %dma_wait3A_533 = tpu.memref_slice %arg6[%arg1, %dma_wait3A_526, %dma_wait3A_531, %dma_wait3A_532] : memref<16x2x32x1024xf32, #tpu.memory_space<vmem_shared>> -> memref<1x1x32x1024xf32, #tpu.memory_space<vmem_shared>>
    %dma_wait3A_534 = tpu.memref_squeeze %dma_wait3A_533 : memref<1x1x32x1024xf32, #tpu.memory_space<vmem_shared>> -> memref<32x1024xf32, #tpu.memory_space<vmem_shared>>
    tpu.wait_dma2 semaphore(%arg14 : memref<!tpu.dma_semaphore, #tpu.memory_space<semaphore_mem>>) src(%dma_wait3A_534 : memref<32x1024xf32, #tpu.memory_space<vmem_shared>>) dst(%dma_wait3A_530 : memref<32x1024xf32, #tpu.memory_space<hbm>>)
    %dma_wait3A_535 = arith.constant 0 : i32
    %dma_wait3A_536 = arith.constant 0 : i32
    %dma_wait3A_537 = tpu.memref_slice %arg3[%dma_wait3A_535, %add3A_366, %dma_wait3A_536] : memref<4x8192x1024xf32, #tpu.memory_space<hbm>> -> memref<1x32x1024xf32, #tpu.memory_space<hbm>>
    %dma_wait3A_538 = tpu.memref_squeeze %dma_wait3A_537 : memref<1x32x1024xf32, #tpu.memory_space<hbm>> -> memref<32x1024xf32, #tpu.memory_space<hbm>>
    %dma_wait3A_539 = arith.constant 0 : i32
    %dma_wait3A_540 = tpu.memref_slice %arg3[%dma_wait3A_535, %add3A_366, %dma_wait3A_539] : memref<4x8192x1024xf32, #tpu.memory_space<hbm>> -> memref<1x32x1024xf32, #tpu.memory_space<hbm>>
    %dma_wait3A_541 = tpu.memref_squeeze %dma_wait3A_540 : memref<1x32x1024xf32, #tpu.memory_space<hbm>> -> memref<32x1024xf32, #tpu.memory_space<hbm>>
    tpu.wait_dma2 semaphore(%arg9 : memref<!tpu.dma_semaphore, #tpu.memory_space<semaphore_mem>>) src(%arg4 : memref<32x1024xf32, #tpu.memory_space<vmem>>) dst(%dma_wait3A_541 : memref<32x1024xf32, #tpu.memory_space<hbm>>)
    %dma_wait3A_542 = arith.constant 1 : i32
    %dma_wait3A_543 = arith.constant 0 : i32
    %dma_wait3A_544 = tpu.memref_slice %arg3[%dma_wait3A_542, %add3A_366, %dma_wait3A_543] : memref<4x8192x1024xf32, #tpu.memory_space<hbm>> -> memref<1x32x1024xf32, #tpu.memory_space<hbm>>
    %dma_wait3A_545 = tpu.memref_squeeze %dma_wait3A_544 : memref<1x32x1024xf32, #tpu.memory_space<hbm>> -> memref<32x1024xf32, #tpu.memory_space<hbm>>
    %dma_wait3A_546 = arith.constant 0 : i32
    %dma_wait3A_547 = tpu.memref_slice %arg3[%dma_wait3A_542, %add3A_366, %dma_wait3A_546] : memref<4x8192x1024xf32, #tpu.memory_space<hbm>> -> memref<1x32x1024xf32, #tpu.memory_space<hbm>>
    %dma_wait3A_548 = tpu.memref_squeeze %dma_wait3A_547 : memref<1x32x1024xf32, #tpu.memory_space<hbm>> -> memref<32x1024xf32, #tpu.memory_space<hbm>>
    tpu.wait_dma2 semaphore(%arg9 : memref<!tpu.dma_semaphore, #tpu.memory_space<semaphore_mem>>) src(%arg4 : memref<32x1024xf32, #tpu.memory_space<vmem>>) dst(%dma_wait3A_548 : memref<32x1024xf32, #tpu.memory_space<hbm>>)
    %dma_wait3A_549 = arith.constant 2 : i32
    %dma_wait3A_550 = arith.constant 0 : i32
    %dma_wait3A_551 = tpu.memref_slice %arg3[%dma_wait3A_549, %add3A_366, %dma_wait3A_550] : memref<4x8192x1024xf32, #tpu.memory_space<hbm>> -> memref<1x32x1024xf32, #tpu.memory_space<hbm>>
    %dma_wait3A_552 = tpu.memref_squeeze %dma_wait3A_551 : memref<1x32x1024xf32, #tpu.memory_space<hbm>> -> memref<32x1024xf32, #tpu.memory_space<hbm>>
    %dma_wait3A_553 = arith.constant 0 : i32
    %dma_wait3A_554 = tpu.memref_slice %arg3[%dma_wait3A_549, %add3A_366, %dma_wait3A_553] : memref<4x8192x1024xf32, #tpu.memory_space<hbm>> -> memref<1x32x1024xf32, #tpu.memory_space<hbm>>
    %dma_wait3A_555 = tpu.memref_squeeze %dma_wait3A_554 : memref<1x32x1024xf32, #tpu.memory_space<hbm>> -> memref<32x1024xf32, #tpu.memory_space<hbm>>
    tpu.wait_dma2 semaphore(%arg9 : memref<!tpu.dma_semaphore, #tpu.memory_space<semaphore_mem>>) src(%arg4 : memref<32x1024xf32, #tpu.memory_space<vmem>>) dst(%dma_wait3A_555 : memref<32x1024xf32, #tpu.memory_space<hbm>>)
    %dma_wait3A_556 = arith.constant 3 : i32
    %dma_wait3A_557 = arith.constant 0 : i32
    %dma_wait3A_558 = tpu.memref_slice %arg3[%dma_wait3A_556, %add3A_366, %dma_wait3A_557] : memref<4x8192x1024xf32, #tpu.memory_space<hbm>> -> memref<1x32x1024xf32, #tpu.memory_space<hbm>>
    %dma_wait3A_559 = tpu.memref_squeeze %dma_wait3A_558 : memref<1x32x1024xf32, #tpu.memory_space<hbm>> -> memref<32x1024xf32, #tpu.memory_space<hbm>>
    %dma_wait3A_560 = arith.constant 0 : i32
    %dma_wait3A_561 = tpu.memref_slice %arg3[%dma_wait3A_556, %add3A_366, %dma_wait3A_560] : memref<4x8192x1024xf32, #tpu.memory_space<hbm>> -> memref<1x32x1024xf32, #tpu.memory_space<hbm>>
    %dma_wait3A_562 = tpu.memref_squeeze %dma_wait3A_561 : memref<1x32x1024xf32, #tpu.memory_space<hbm>> -> memref<32x1024xf32, #tpu.memory_space<hbm>>
    tpu.wait_dma2 semaphore(%arg9 : memref<!tpu.dma_semaphore, #tpu.memory_space<semaphore_mem>>) src(%arg4 : memref<32x1024xf32, #tpu.memory_space<vmem>>) dst(%dma_wait3A_562 : memref<32x1024xf32, #tpu.memory_space<hbm>>)
    %dma_wait3A_563 = arith.constant 0 : i32
    %dma_wait3A_564 = arith.constant 0 : i32
    %dma_wait3A_565 = tpu.memref_slice %arg3[%dma_wait3A_563, %add3A_434, %dma_wait3A_564] : memref<4x8192x1024xf32, #tpu.memory_space<hbm>> -> memref<1x32x1024xf32, #tpu.memory_space<hbm>>
    %dma_wait3A_566 = tpu.memref_squeeze %dma_wait3A_565 : memref<1x32x1024xf32, #tpu.memory_space<hbm>> -> memref<32x1024xf32, #tpu.memory_space<hbm>>
    %dma_wait3A_567 = arith.constant 0 : i32
    %dma_wait3A_568 = tpu.memref_slice %arg3[%dma_wait3A_563, %add3A_434, %dma_wait3A_567] : memref<4x8192x1024xf32, #tpu.memory_space<hbm>> -> memref<1x32x1024xf32, #tpu.memory_space<hbm>>
    %dma_wait3A_569 = tpu.memref_squeeze %dma_wait3A_568 : memref<1x32x1024xf32, #tpu.memory_space<hbm>> -> memref<32x1024xf32, #tpu.memory_space<hbm>>
    tpu.wait_dma2 semaphore(%arg10 : memref<!tpu.dma_semaphore, #tpu.memory_space<semaphore_mem>>) src(%arg5 : memref<32x1024xf32, #tpu.memory_space<vmem>>) dst(%dma_wait3A_569 : memref<32x1024xf32, #tpu.memory_space<hbm>>)
    %dma_wait3A_570 = arith.constant 1 : i32
    %dma_wait3A_571 = arith.constant 0 : i32
    %dma_wait3A_572 = tpu.memref_slice %arg3[%dma_wait3A_570, %add3A_434, %dma_wait3A_571] : memref<4x8192x1024xf32, #tpu.memory_space<hbm>> -> memref<1x32x1024xf32, #tpu.memory_space<hbm>>
    %dma_wait3A_573 = tpu.memref_squeeze %dma_wait3A_572 : memref<1x32x1024xf32, #tpu.memory_space<hbm>> -> memref<32x1024xf32, #tpu.memory_space<hbm>>
    %dma_wait3A_574 = arith.constant 0 : i32
    %dma_wait3A_575 = tpu.memref_slice %arg3[%dma_wait3A_570, %add3A_434, %dma_wait3A_574] : memref<4x8192x1024xf32, #tpu.memory_space<hbm>> -> memref<1x32x1024xf32, #tpu.memory_space<hbm>>
    %dma_wait3A_576 = tpu.memref_squeeze %dma_wait3A_575 : memref<1x32x1024xf32, #tpu.memory_space<hbm>> -> memref<32x1024xf32, #tpu.memory_space<hbm>>
    tpu.wait_dma2 semaphore(%arg10 : memref<!tpu.dma_semaphore, #tpu.memory_space<semaphore_mem>>) src(%arg5 : memref<32x1024xf32, #tpu.memory_space<vmem>>) dst(%dma_wait3A_576 : memref<32x1024xf32, #tpu.memory_space<hbm>>)
    %dma_wait3A_577 = arith.constant 2 : i32
    %dma_wait3A_578 = arith.constant 0 : i32
    %dma_wait3A_579 = tpu.memref_slice %arg3[%dma_wait3A_577, %add3A_434, %dma_wait3A_578] : memref<4x8192x1024xf32, #tpu.memory_space<hbm>> -> memref<1x32x1024xf32, #tpu.memory_space<hbm>>
    %dma_wait3A_580 = tpu.memref_squeeze %dma_wait3A_579 : memref<1x32x1024xf32, #tpu.memory_space<hbm>> -> memref<32x1024xf32, #tpu.memory_space<hbm>>
    %dma_wait3A_581 = arith.constant 0 : i32
    %dma_wait3A_582 = tpu.memref_slice %arg3[%dma_wait3A_577, %add3A_434, %dma_wait3A_581] : memref<4x8192x1024xf32, #tpu.memory_space<hbm>> -> memref<1x32x1024xf32, #tpu.memory_space<hbm>>
    %dma_wait3A_583 = tpu.memref_squeeze %dma_wait3A_582 : memref<1x32x1024xf32, #tpu.memory_space<hbm>> -> memref<32x1024xf32, #tpu.memory_space<hbm>>
    tpu.wait_dma2 semaphore(%arg10 : memref<!tpu.dma_semaphore, #tpu.memory_space<semaphore_mem>>) src(%arg5 : memref<32x1024xf32, #tpu.memory_space<vmem>>) dst(%dma_wait3A_583 : memref<32x1024xf32, #tpu.memory_space<hbm>>)
    %dma_wait3A_584 = arith.constant 3 : i32
    %dma_wait3A_585 = arith.constant 0 : i32
    %dma_wait3A_586 = tpu.memref_slice %arg3[%dma_wait3A_584, %add3A_434, %dma_wait3A_585] : memref<4x8192x1024xf32, #tpu.memory_space<hbm>> -> memref<1x32x1024xf32, #tpu.memory_space<hbm>>
    %dma_wait3A_587 = tpu.memref_squeeze %dma_wait3A_586 : memref<1x32x1024xf32, #tpu.memory_space<hbm>> -> memref<32x1024xf32, #tpu.memory_space<hbm>>
    %dma_wait3A_588 = arith.constant 0 : i32
    %dma_wait3A_589 = tpu.memref_slice %arg3[%dma_wait3A_584, %add3A_434, %dma_wait3A_588] : memref<4x8192x1024xf32, #tpu.memory_space<hbm>> -> memref<1x32x1024xf32, #tpu.memory_space<hbm>>
    %dma_wait3A_590 = tpu.memref_squeeze %dma_wait3A_589 : memref<1x32x1024xf32, #tpu.memory_space<hbm>> -> memref<32x1024xf32, #tpu.memory_space<hbm>>
    tpu.wait_dma2 semaphore(%arg10 : memref<!tpu.dma_semaphore, #tpu.memory_space<semaphore_mem>>) src(%arg5 : memref<32x1024xf32, #tpu.memory_space<vmem>>) dst(%dma_wait3A_590 : memref<32x1024xf32, #tpu.memory_space<hbm>>)
    return
  }
}

</mosaic_0001>

<sc_bundles>
// kernel: kernel.3.cloned.1.call-start
scs
__scs_entry_jumppad:
0x0: {  	(pc) =	sbr.rel $0x88, $3  }
0x1: {  	(tag) =	ssettag $0x0;
	lr =	simm.s32 $0x1  }
0x2: {  	[smem:$0x3FA0] =	sst lr;
	_ =	strace $0xD0000000  }
0x3: {  	_ = 	snop  }
0x4: {  	_ = 	snop  }
0x5: {  	_ = 	snop  }
0x6: {  	_ = 	snop  }
0x7: {  	_ = 	snop  }
__scs_overlays_trampoline_lowered:
0x8: {  	[smem:$0x3FAF] =	sst s0  }
0x9: {  	[smem:$0x3FB0] =	sst s1  }
0xa: {  	[smem:$0x3FB1] =	sst s2  }
0xb: {  	[smem:$0x3FB2] =	sst s3  }
0xc: {  	[smem:$0x3FB3] =	sst s4  }
0xd: {  	[smem:$0x3FB4] =	sst s5  }
0xe: {  	[smem:$0x3FB5] =	sst s6  }
0xf: {  	[smem:$0x3FB6] =	sst s7  }
0x10: {  	[smem:$0x3FB7] =	sst s8  }
0x11: {  	[smem:$0x3FB8] =	sst s9;
	s0 =	simm.s32 @!p0 $0x0  }
0x12: {  	s1 =	sld [smem:$0x3F9E];
	s0 =	simm.s32 @p0 $0x1  }
0x13: {  	[smem:$0x3FB9] =	sst s0;
	s0 =	simm.s32 @!p1 $0x0  }
0x14: {  	s2 =	sld [smem:$0x3F9D];
	s0 =	simm.s32 @p1 $0x1  }
0x15: {  	[smem:$0x3FBA] =	sst s0;
	s0 =	simm.s32 @!p2 $0x0  }
0x16: {  	s3 =	sld [smem:$0x3FDB];
	s0 =	simm.s32 @p2 $0x1  }
0x17: {  	s4 =	simm.s32 $0x1BF5;
	[smem:$0x3FBC] =	sst s0  }
0x18: {  	s0 =	sld [smem:$0x3F9F];
	_ =	swait.ge [sflag:s4], $0x0  }
0x19: {  	s7 =	sld [smem:$0x3FA0]  }
0x1a: {  	s8 =	sadd.s32 $0xFFFFE003, lr  }
0x1b: {  	s9 =	sadd.s32 $0xFFFFFEF7, lr;
	s5 =	simm.s32 $0xFFFFFFFF;
	p2 =	slt.u32 s8, $0xFFFFF086  }
0x1c: {  	p1 =	slt.u32 s9, $0xF7A;
	s5 =	simm.s32 @!p2 $0x0  }
0x1d: {  	s5 =	simm.s32 @p1 $0x1;
	p0 =	seq.s32 s7, s2  }
0x1e: {  	s7 =	smul.u32 @!p0 $0xF7A, s2;
	p2 =	seq.s32 @!p0 s5, $0x0  }
0x1f: {  	s9 =	smul.u32 $0xF7A, s1;
	s8 =	simm.s32 @!p0 $0x1BF5;
	p2 =	por !p2, p0  }
0x20: {  	[sflag:s8] =	ssyncset.s32 @!p0 $0xFFFFF086;
	s6 =	sadd.s32 @!p0 s3, s7;
	s7 =	simm.s32 @!p0 $0x108  }
0x21: {  	s3 =	sadd.s32 s3, s9;
	s6 =	sadd.s32 @!p0 $0x88, s6;
	s7 =	simm.s32 @p2 $0x1082  }
0x22: {  	[simem:s7], [sflag:s8] =	dma.local @!p0 [hbm:s6], $0xF7A  }
0x23: {  	s9 =	sor.u32 $0xD0000000, s2;
	s6 =	simm.s32 $0x108;
	_ =	swait.ge @!p0 [sflag:s8], $0x0  }
0x24: {  	s3 =	sadd.s32 $0x88, s3;
	s6 =	simm.s32 @!p1 $0x1082;
	[sflag:s4] =	ssyncset.s32 $0xFFFFF086  }
0x25: {  	[simem:s6], [sflag:s4] =	dma.local [hbm:s3], $0xF7A  }
0x26: {  	[smem:$0x3FA0] =	sst s1;
	(tag) =	ssettag s2;
	_ =	strace s9  }
0x27: {  	s1 =	sld [smem:$0x3FB0]  }
0x28: {  	s2 =	sld [smem:$0x3FB1]  }
0x29: {  	s4 =	sld [smem:$0x3FB3]  }
0x2a: {  	p0 =	seq.s32 s5, $0x0;
	s5 =	sld [smem:$0x3FB4]  }
0x2b: {  	s6 =	sld [smem:$0x3FB5]  }
0x2c: {  	s7 =	sld [smem:$0x3FB6]  }
0x2d: {  	s3 =	simm.s32 $0x108;
	s8 =	sld [smem:$0x3FB7]  }
0x2e: {  	s3 =	simm.s32 @!p0 $0x1082;
	s9 =	sld [smem:$0x3FB8]  }
0x2f: {  	lr =	sadd.s32 s0, s3;
	s0 =	sld [smem:$0x3FAF]  }
0x30: {  	s3 =	sld [smem:$0x3FB2]  }
0x31: {  	[smem:$0x3FBB] =	sst s10  }
0x32: {  	s10 =	sld [smem:$0x3FB9];
	_ =	sdelay $0x3  }
0x33: {  	p0 =	seq.s32 s10, $0x1;
	s10 =	sld [smem:$0x3FBB];
	_ =	sdelay $0x3  }
0x34: {  	[smem:$0x3FBB] =	sst s10  }
0x35: {  	s10 =	sld [smem:$0x3FBA];
	_ =	sdelay $0x3  }
0x36: {  	p1 =	seq.s32 s10, $0x1;
	s10 =	sld [smem:$0x3FBB];
	_ =	sdelay $0x3  }
0x37: {  	[smem:$0x3FBB] =	sst s10  }
0x38: {  	s10 =	sld [smem:$0x3FBC]  }
0x39: {  	_ = 	snop;
	(pc) =	sbr.ind lr, $3  }
0x3a: {  	_ = 	snop  }
0x3b: {  	_ = 	snop  }
0x3c: {  	p2 =	seq.s32 s10, $0x1;
	s10 =	sld [smem:$0x3FBB]  }
0x3d: {  	_ =	shalt  }
0x3e: {  	_ =	shalt  }
0x3f: {  	_ =	shalt  }
0x40: {  	_ =	shalt  }
0x41: {  	_ =	shalt  }
0x42: {  	_ =	shalt  }
0x43: {  	_ =	shalt  }
0x44: {  	_ =	shalt  }
0x45: {  	_ =	shalt  }
0x46: {  	_ =	shalt  }
0x47: {  	_ =	shalt  }
0x48: {  	_ =	shalt  }
0x49: {  	_ =	shalt  }
0x4a: {  	_ =	shalt  }
0x4b: {  	_ =	shalt  }
0x4c: {  	_ =	shalt  }
0x4d: {  	_ =	shalt  }
0x4e: {  	_ =	shalt  }
0x4f: {  	_ =	shalt  }
0x50: {  	_ =	shalt  }
0x51: {  	_ =	shalt  }
0x52: {  	_ =	shalt  }
0x53: {  	_ =	shalt  }
0x54: {  	_ =	shalt  }
0x55: {  	_ =	shalt  }
0x56: {  	_ =	shalt  }
0x57: {  	_ =	shalt  }
0x58: {  	_ =	shalt  }
0x59: {  	_ =	shalt  }
0x5a: {  	_ =	shalt  }
0x5b: {  	_ =	shalt  }
0x5c: {  	_ =	shalt  }
0x5d: {  	_ =	shalt  }
0x5e: {  	_ =	shalt  }
0x5f: {  	_ =	shalt  }
0x60: {  	_ =	shalt  }
0x61: {  	_ =	shalt  }
0x62: {  	_ =	shalt  }
0x63: {  	_ =	shalt  }
0x64: {  	_ =	shalt  }
0x65: {  	_ =	shalt  }
0x66: {  	_ =	shalt  }
0x67: {  	_ =	shalt  }
0x68: {  	_ =	shalt  }
0x69: {  	_ =	shalt  }
0x6a: {  	_ =	shalt  }
0x6b: {  	_ =	shalt  }
0x6c: {  	_ =	shalt  }
0x6d: {  	_ =	shalt  }
0x6e: {  	_ =	shalt  }
0x6f: {  	_ =	shalt  }
0x70: {  	_ =	shalt  }
0x71: {  	_ =	shalt  }
0x72: {  	_ =	shalt  }
0x73: {  	_ =	shalt  }
0x74: {  	_ =	shalt  }
0x75: {  	_ =	shalt  }
0x76: {  	_ =	shalt  }
0x77: {  	_ =	shalt  }
0x78: {  	_ =	shalt  }
0x79: {  	_ =	shalt  }
0x7a: {  	_ =	shalt  }
0x7b: {  	_ =	shalt  }
0x7c: {  	_ =	shalt  }
0x7d: {  	_ =	shalt  }
0x7e: {  	_ =	shalt  }
0x7f: {  	_ =	shalt  }
0x80: {  	_ =	shalt  }
0x81: {  	_ =	shalt  }
0x82: {  	_ =	shalt  }
0x83: {  	_ =	shalt  }
0x84: {  	_ =	shalt  }
0x85: {  	_ =	shalt  }
0x86: {  	_ =	shalt  }
0x87: {  	_ =	shalt  }
.Lfunc_end0:
.L_simem_size_0:
called_computation_lowered:
.L_overlay_start_0:
0x88: {  	s2 =	sld [smem:$0x3FD9]  }
0x89: {  	s3 =	sld [smem:$0x3FFE];
	_ =	sdelay $0x1  }
0x8a: {  	s1 =	srdreg.scid  }
0x8b: {  	s0 =	sand.u32 $0x1, s1  }
0x8c: {  	s18 =	sshll.u32 s0, $0xA;
	s2 =	sadd.s32 s3, s2  }
0x8d: {  	s2 =	sadd.s32 s2, s18  }
0x8e: {  	[smem:$0x3FC7] =	sst s2  }
0x8f: {  	_ = 	snop  }
0x90: {  	s2 =	sld [smem:$0x3FC9]  }
0x91: {  	s19 =	sld [smem:$0x3FD0];
	(tm) =	ssettm $0x1  }
0x92: {  	s4 =	sld [smem:$0x3FFB];
	_ =	sdelay $0x3  }
0x93: {  	_ =	strace s4  }
0x94: {  	s4 =	sld [smem:$0x3FFC];
	_ =	sdelay $0x3  }
0x95: {  	_ =	strace s4  }
0x96: {  	s4 =	sld [smem:$0x3FFD];
	_ =	sdelay $0x3  }
0x97: {  	_ =	strace s4  }
0x98: {  	_ =	strace $0x8FFFFFFF  }
0x99: {  	s20 =	sld [smem:$0x3FDB];
	_ =	sdelay $0x1  }
0x9a: {  	s5 =	simm.s32 $_scs_section_size  }
0x9b: {  	s6 =	simm.s32 $_size__tile_overlayer_lowered;
	s7 =	simm.s32 $_tile_overlayer_lowered  }
0x9c: {  	s23 =	simm.s32 $0x1BFF;
	s22 =	sshll.u32 s7, $0x1;
	s4 =	sadd.s32 s5, s20  }
0x9d: {  	s8 =	simm.s32 $0x0;
	s21 =	sshll.u32 s6, $0x1;
	s6 =	sadd.s32 s22, s4  }
0x9e: {  	[timem:s8], [sflag:s23] =	dma.local [hbm:s6], s21  }
0x9f: {  	_ =	swait.ge [sflag:s23], s21  }
0xa0: {  	s5 =	ssub.s32 $0x0, s21;
	[sflag:s23] =	ssyncset.done $0x0  }
0xa1: {  	[sflag:s23] =	ssyncadd.s32 s5;
	_ =	sdelay $0x1  }
0xa2: {  	s24 =	simm.s32 $0x1B8B  }
0xa3: {  	_ =	swait.ge [sflag:s24], $0x1  }
0xa4: {  	[sflag:s24] =	ssyncset.done $0x0  }
0xa5: {  	s25 =	simm.s32 $0x1B8E;
	[sflag:s24] =	ssyncadd.s32 $0xFFFFFFFF  }
0xa6: {  	s26 =	simm.s32 $execute0_lowered;
	[smem:$0x3FD2] =	sst s25  }
0xa7: {  	s5 =	sshll.u32 s26, $0x1;
	_ =	strace $0x80000046;
	[dreg:$0x1] =	wrdreg $0xFFFFFFFF  }
0xa8: {  	s28 =	simm.s32 $_size_execute0_lowered;
	s4 =	sadd.s32 s4, s5;
	[dreg:$0x0] =	wrdreg $0x0  }
0xa9: {  	s5 =	sshll.u32 s28, $0x1;
	[dreg:$0x2] =	wrdreg s4  }
0xaa: {  	[dreg:$0x3] =	wrdreg s5  }
0xab: {  	[dreg:$0x4] =	wrdreg $0xC0  }
0xac: {  	_ =	task [dreg:s8], $0x5FFFF  }
0xad: {  	[dreg:$0x1] =	wrdreg $0xFFFFFFFF  }
0xae: {  	[dreg:$0x0] =	wrdreg $0x60  }
0xaf: {  	[dreg:$0x2] =	wrdreg s2  }
0xb0: {  	[dreg:$0x3] =	wrdreg s19  }
0xb1: {  	[dreg:$0x4] =	wrdreg $0x100000  }
0xb2: {  	[dreg:$0x5] =	wrdreg $0x9  }
0xb3: {  	_ =	task.clear_ibuf [dreg:s8], $0x6FFFF;
	_ =	strace $0x90000046  }
0xb4: {  	s29 =	simm.s32 $0x9;
	_ =	strace $0x80000048  }
0xb5: {  	_ =	swait.ge [sflag:s29], $0x1  }
0xb6: {  	[sflag:s29] =	ssyncadd.s32 $0xFFFFFFFF  }
0xb7: {  	_ =	strace $0x90000048  }
0xb8: {  	_ =	sfence  }
0xb9: {  	s30 =	sld [smem:$0x0];
	_ =	sdelay $0x2  }
0xba: {  	s31 =	sshll.u32 s1, $0xD;
	s1 =	sshrl.u32 s1, $0x2  }
0xbb: {  	s3 =	sand.u32 $0x4000, s31;
	s1 =	sadd.s32 s1, s30  }
0xbc: {  	s0 =	sor.u32 s3, s0;
	s1 =	sshll.u32 s1, $0x11  }
0xbd: {  	s0 =	sor.u32 s1, s0  }
0xbe: {  	s0 =	sadd.s32 $0x8F2B, s0  }
0xbf: {  	[sflag:s0] =	ssyncadd.remote.s32 $0x1  }
0xc0: {  	_ =	sfence.sel $0xFFFF  }
0xc1: {  	[dreg:$0x0] =	wrdreg $0xFFFFFFFF;
	(pc) =	sbr.abs _section_cstart, $3  }
0xc2: {  	[dreg:$0x1] =	wrdreg $0xFFFFFFFF  }
0xc3: {  	_ =	task.clear_ibuf [dreg:s8], $0x2FFFF;
	_ =	strace $0x9FFFFFFF  }
0xc4: {  	(tm) =	ssettm $0x7FFFFFFF  }
0xc5: {  	_ =	shalt  }
tec
execute0_lowered:
.L_overlay_start_1:
0x0: {  	(tag) =	ssettag $0x1  }
0x1: {  	s0 =	rddreg [dreg:$0x0]  }
0x2: {  	s3 =	rddreg [dreg:$0x1]  }
0x3: {  	s5 =	rddreg [dreg:$0x2];
	s1 =	srdreg.scid  }
0x4: {  	s25 =	rddreg [dreg:$0x3];
	s28 =	stileid.u32;
	s2 =	simm.s32 $0x0  }
0x5: {  	s7 =	sand.u32 $0x1, s1;
	s6 =	sshll.u32 s28, $0x10;
	[smem:$0x7FF] =	sst s2  }
0x6: {  	s21 =	sshll.u32 s28, $0x6;
	s1 =	sshll.u32 s7, $0xF;
	_ =	strace $0x80000047  }
0x7: {  	s10 =	sor.u32 $0x1C05, s21;
	[smem:$0x7FD] =	sst s21;
	s4 =	sor.u32 s1, s6  }
0x8: {  	[dreg:$0x6] =	wrdreg s10;
	s1 =	sadd.s32 s0, s4  }
0x9: {  	s8 =	sor.u32 $0x6000, s4;
	[dreg:$0x4] =	wrdreg s1  }
0xa: {  	s9 =	sadd.s32 s0, s8;
	s1 =	rddreg [dreg:$0x6]  }
0xb: {  	s22 =	sadd.s32 s3, s4;
	s11 =	sadd.s32 s3, s8;
	[dreg:$0x5] =	wrdreg s9  }
0xc: {  	s12 =	sadd.s32 $0x106000, s22;
	[dreg:$0x7] =	wrdreg s11  }
0xd: {  	s13 =	sadd.s32 $0x206000, s22;
	[dreg:$0x8] =	wrdreg s12  }
0xe: {  	s15 =	sor.u32 $0x7000, s4;
	s14 =	sadd.s32 $0x306000, s22;
	[dreg:$0x9] =	wrdreg s13  }
0xf: {  	s16 =	sadd.s32 s0, s15;
	[dreg:$0xa] =	wrdreg s14  }
0x10: {  	s17 =	sadd.s32 $0x100000, s22;
	[dreg:$0xb] =	wrdreg s16  }
0x11: {  	s18 =	sadd.s32 $0x200000, s22;
	[dreg:$0xc] =	wrdreg s17  }
0x12: {  	s19 =	sadd.s32 $0x300000, s22;
	[dreg:$0xd] =	wrdreg s18  }
0x13: {  	s23 =	sadd.s32 s3, s15;
	[dreg:$0xe] =	wrdreg s19  }
0x14: {  	s24 =	sadd.s32 $0x107000, s22;
	[dreg:$0x10] =	wrdreg s23  }
0x15: {  	p0 =	por $0x0, $0x0;
	s26 =	sadd.s32 $0x207000, s22;
	[dreg:$0x11] =	wrdreg s24  }
0x16: {  	s7 =	ssub.s32 $0x2, s7;
	s29 =	sadd.s32 $0x307000, s22;
	[dreg:$0x12] =	wrdreg s26  }
0x17: {  	s31 =	sadd.s32 s6, s5;
	s8 =	sadd.s32 $0x101000, s22;
	[dreg:$0x13] =	wrdreg s29  }
0x18: {  	s5 =	sadd.s32 $0x8000, s31;
	s10 =	sadd.s32 $0x301000, s22;
	[dreg:$0x15] =	wrdreg s8  }
0x19: {  	s15 =	sadd.s32 $0x202000, s22;
	s9 =	sor.u32 $0x1000, s4;
	[dreg:$0x17] =	wrdreg s10  }
0x1a: {  	s11 =	sor.u32 $0x2000, s4;
	s14 =	sadd.s32 $0x102000, s22;
	[dreg:$0x1b] =	wrdreg s15  }
0x1b: {  	s16 =	sadd.s32 $0x302000, s22;
	s17 =	sor.u32 $0x3000, s4;
	s19 =	sshrl.u32 s7, $0x1  }
0x1c: {  	s23 =	sadd.s32 $0x103000, s22;
	s24 =	sadd.s32 $0x203000, s22;
	s26 =	sor.u32 $0x4000, s4  }
0x1d: {  	s15 =	sadd.s32 $0x104000, s22;
	s29 =	sor.u32 $0x5000, s4;
	s8 =	sadd.s32 $0x205000, s22  }
0x1e: {  	s4 =	simm.s32 $0x3;
	s20 =	sadd.s32 s0, s9;
	[dreg:$0x1a] =	wrdreg s14  }
0x1f: {  	s30 =	sadd.s32 s3, s9;
	s9 =	sadd.s32 $0x201000, s22;
	[dreg:$0x1c] =	wrdreg s16  }
0x20: {  	s12 =	sadd.s32 s0, s11;
	s13 =	sadd.s32 s3, s11;
	[dreg:$0x1f] =	wrdreg s23  }
0x21: {  	s18 =	sadd.s32 s0, s17;
	s10 =	ssub.s32 s7, s19;
	[smem:$0x7FC] =	sst s24  }
0x22: {  	s14 =	sadd.s32 s3, s26;
	s16 =	sadd.s32 $0x204000, s22;
	[dreg:$0xf] =	wrdreg s20  }
0x23: {  	s11 =	sadd.s32 s0, s29;
	s6 =	sadd.s32 s3, s29;
	[dreg:$0x14] =	wrdreg s30  }
0x24: {  	s7 =	sadd.s32 $0x105000, s22;
	s23 =	sshrl.u32 s5, $0x3;
	[dreg:$0x16] =	wrdreg s9  }
0x25: {  	s19 =	simm.s32 $0x1;
	[dreg:$0x18] =	wrdreg s12;
	s30 =	smax.u32 s10, $0x1  }
0x26: {  	s24 =	simm.s32 $0x6;
	[dreg:$0x19] =	wrdreg s13;
	p1 =	sne.s32 s30, $0x1  }
.Ltmp0:
0x27: {  	s5 =	simm.s32 $0x8;
	[dreg:$0x1d] =	wrdreg s18;
	(pc) =	sbr.rel @!p1 .LBB2_5-.Ltmp0, $4  }
0x28: {  	s20 =	sadd.s32 s3, s17;
	s18 =	sadd.s32 s0, s26;
	s17 =	sadd.s32 $0x304000, s22  }
0x29: {  	s9 =	sadd.s32 $0x305000, s22;
	s26 =	simm.s32 $0x5;
	s12 =	simm.s32 $0x8000  }
0x2a: {  	s13 =	simm.s32 $0x2;
	s3 =	simm.s32 $0x4;
	s10 =	simm.s32 $0x7  }
0x2b: {  	[dreg:$0x1e] =	wrdreg s20;
	s20 =	sadd.s32 $0x303000, s22;
	s0 =	sadd.s32 $0xFFFFFFFF, s30  }
0x2c: {  	s29 =	rddreg [dreg:$0x4]  }
0x2d: {  	s30 =	rddreg [dreg:$0x5]  }
0x2e: {  	[smem:$0x7FB] =	sst s31;
	s28 =	sshrl.u32 s31, $0x3  }
0x2f: {  	[tilespmem:s2], [sflag:$0x1] =	stream.linear.gather [hbm4b:s29+s2], $0x8000, $0x38;
	v63 =	vld [tilespmem:$0x0]  }
0x30: {  	[spmem:s28], [sflag:s1] =	dma.local [hbm:s30], $0x1000  }
0x31: {  	_ =	swait.ge [sflag:s26], $0x1000  }
0x32: {  	[sflag:s26] =	ssyncset.done $0x0  }
0x33: {  	s29 =	sor.u32 $0x1C07, s21;
	s25 =	rddreg [dreg:$0x7];
	[sflag:s26] =	ssyncadd.s32 $0xFFFFF000  }
0x34: {  	[hbm:s25], [sflag:s29] =	dma.local [spmem:s28], $0x1000  }
0x35: {  	s1 =	rddreg [dreg:$0x8]  }
0x36: {  	[hbm:s1], [sflag:s29] =	dma.local [spmem:s28], $0x1000  }
0x37: {  	s1 =	rddreg [dreg:$0x9]  }
0x38: {  	[hbm:s1], [sflag:s29] =	dma.local [spmem:s28], $0x1000  }
0x39: {  	s1 =	rddreg [dreg:$0xa]  }
0x3a: {  	[hbm:s1], [sflag:s29] =	dma.local [spmem:s28], $0x1000  }
0x3b: {  	s30 =	sor.u32 $0x1C06, s21;
	s1 =	rddreg [dreg:$0xb]  }
0x3c: {  	[spmem:s23], [sflag:s30] =	dma.local [hbm:s1], $0x1000  }
0x3d: {  	_ =	swait.ge [sflag:s19], $0x8000  }
0x3e: {  	[sflag:s19] =	ssyncset.done $0x0  }
0x3f: {  	[sflag:s19] =	ssyncadd.s32 $0xFFFF8000  }
0x40: {  	[hbm4b:s22+s2] =	stream.linear.scatter [tilespmem:s2], [sflag:$0x3], $0x8000, $0x38;
	v63 =	vld [tilespmem:$0x0]  }
0x41: {  	s25 =	rddreg [dreg:$0xc]  }
0x42: {  	[hbm4b:s25+s2] =	stream.linear.scatter [tilespmem:s2], [sflag:$0x3], $0x8000, $0x38;
	v63 =	vld [tilespmem:$0x0]  }
0x43: {  	s31 =	rddreg [dreg:$0xd]  }
0x44: {  	[hbm4b:s31+s2] =	stream.linear.scatter [tilespmem:s2], [sflag:$0x3], $0x8000, $0x38;
	v63 =	vld [tilespmem:$0x0]  }
0x45: {  	s25 =	rddreg [dreg:$0xe]  }
0x46: {  	[hbm4b:s25+s2] =	stream.linear.scatter [tilespmem:s2], [sflag:$0x3], $0x8000, $0x38;
	v63 =	vld [tilespmem:$0x0]  }
0x47: {  	s31 =	rddreg [dreg:$0xf]  }
0x48: {  	[tilespmem:s12], [sflag:$0x2] =	stream.linear.gather [hbm4b:s31+s2], $0x8000, $0x38;
	v63 =	vld [tilespmem:$0x0]  }
0x49: {  	_ =	swait.ge [sflag:s24], $0x1000  }
0x4a: {  	[sflag:s24] =	ssyncset.done $0x0  }
0x4b: {  	s31 =	sor.u32 $0x1C08, s21;
	s25 =	rddreg [dreg:$0x10];
	[sflag:s24] =	ssyncadd.s32 $0xFFFFF000  }
0x4c: {  	[hbm:s25], [sflag:s31] =	dma.local [spmem:s23], $0x1000  }
0x4d: {  	s1 =	rddreg [dreg:$0x11]  }
0x4e: {  	[hbm:s1], [sflag:s31] =	dma.local [spmem:s23], $0x1000  }
0x4f: {  	s1 =	rddreg [dreg:$0x12]  }
0x50: {  	[hbm:s1], [sflag:s31] =	dma.local [spmem:s23], $0x1000  }
0x51: {  	s1 =	rddreg [dreg:$0x13]  }
0x52: {  	[hbm:s1], [sflag:s31] =	dma.local [spmem:s23], $0x1000  }
0x53: {  	_ =	swait.ge [sflag:s13], $0x8000  }
0x54: {  	[sflag:s13] =	ssyncset.done $0x0  }
0x55: {  	s21 =	rddreg [dreg:$0x14];
	[sflag:s13] =	ssyncadd.s32 $0xFFFF8000  }
0x56: {  	[hbm4b:s21+s2] =	stream.linear.scatter [tilespmem:s12], [sflag:$0x4], $0x8000, $0x38;
	v63 =	vld [tilespmem:$0x0]  }
0x57: {  	s25 =	rddreg [dreg:$0x15]  }
0x58: {  	[hbm4b:s25+s2] =	stream.linear.scatter [tilespmem:s12], [sflag:$0x4], $0x8000, $0x38;
	v63 =	vld [tilespmem:$0x0]  }
0x59: {  	s1 =	rddreg [dreg:$0x16]  }
0x5a: {  	[hbm4b:s1+s2] =	stream.linear.scatter [tilespmem:s12], [sflag:$0x4], $0x8000, $0x38;
	v63 =	vld [tilespmem:$0x0]  }
0x5b: {  	s21 =	rddreg [dreg:$0x17]  }
0x5c: {  	[hbm4b:s21+s2] =	stream.linear.scatter [tilespmem:s12], [sflag:$0x4], $0x8000, $0x38;
	v63 =	vld [tilespmem:$0x0]  }
0x5d: {  	_ =	swait.ge [sflag:s4], $0x8000  }
0x5e: {  	[sflag:s4] =	ssyncset.done $0x0  }
0x5f: {  	[sflag:s4] =	ssyncadd.s32 $0xFFFF8000  }
0x60: {  	_ =	swait.ge [sflag:s4], $0x8000  }
0x61: {  	[sflag:s4] =	ssyncset.done $0x0  }
0x62: {  	[sflag:s4] =	ssyncadd.s32 $0xFFFF8000  }
0x63: {  	_ =	swait.ge [sflag:s4], $0x8000  }
0x64: {  	[sflag:s4] =	ssyncset.done $0x0  }
0x65: {  	[sflag:s4] =	ssyncadd.s32 $0xFFFF8000  }
0x66: {  	_ =	swait.ge [sflag:s4], $0x8000  }
0x67: {  	[sflag:s4] =	ssyncset.done $0x0  }
0x68: {  	s21 =	rddreg [dreg:$0x18];
	[sflag:s4] =	ssyncadd.s32 $0xFFFF8000  }
0x69: {  	[tilespmem:s2], [sflag:$0x1] =	stream.linear.gather [hbm4b:s21+s2], $0x8000, $0x38;
	v63 =	vld [tilespmem:$0x0]  }
0x6a: {  	_ =	swait.ge [sflag:s19], $0x8000  }
0x6b: {  	[sflag:s19] =	ssyncset.done $0x0  }
0x6c: {  	s25 =	rddreg [dreg:$0x19];
	[sflag:s19] =	ssyncadd.s32 $0xFFFF8000  }
0x6d: {  	[hbm4b:s25+s2] =	stream.linear.scatter [tilespmem:s2], [sflag:$0x3], $0x8000, $0x38;
	v63 =	vld [tilespmem:$0x0]  }
0x6e: {  	s21 =	rddreg [dreg:$0x1a]  }
0x6f: {  	[hbm4b:s21+s2] =	stream.linear.scatter [tilespmem:s2], [sflag:$0x3], $0x8000, $0x38;
	v63 =	vld [tilespmem:$0x0]  }
0x70: {  	s1 =	rddreg [dreg:$0x1b]  }
0x71: {  	[hbm4b:s1+s2] =	stream.linear.scatter [tilespmem:s2], [sflag:$0x3], $0x8000, $0x38;
	v63 =	vld [tilespmem:$0x0]  }
0x72: {  	s21 =	rddreg [dreg:$0x1c]  }
0x73: {  	[hbm4b:s21+s2] =	stream.linear.scatter [tilespmem:s2], [sflag:$0x3], $0x8000, $0x38;
	v63 =	vld [tilespmem:$0x0]  }
0x74: {  	_ =	swait.ge [sflag:s3], $0x8000  }
0x75: {  	[sflag:s3] =	ssyncset.done $0x0  }
0x76: {  	[sflag:s3] =	ssyncadd.s32 $0xFFFF8000  }
0x77: {  	_ =	swait.ge [sflag:s3], $0x8000  }
0x78: {  	[sflag:s3] =	ssyncset.done $0x0  }
0x79: {  	[sflag:s3] =	ssyncadd.s32 $0xFFFF8000  }
0x7a: {  	_ =	swait.ge [sflag:s3], $0x8000  }
0x7b: {  	[sflag:s3] =	ssyncset.done $0x0  }
0x7c: {  	[sflag:s3] =	ssyncadd.s32 $0xFFFF8000  }
0x7d: {  	_ =	swait.ge [sflag:s3], $0x8000  }
0x7e: {  	[sflag:s3] =	ssyncset.done $0x0  }
0x7f: {  	s25 =	rddreg [dreg:$0x1d];
	[sflag:s3] =	ssyncadd.s32 $0xFFFF8000  }
0x80: {  	[tilespmem:s12], [sflag:$0x2] =	stream.linear.gather [hbm4b:s25+s2], $0x8000, $0x38;
	v63 =	vld [tilespmem:$0x0]  }
0x81: {  	_ =	swait.ge [sflag:s13], $0x8000  }
0x82: {  	s21 =	rddreg [dreg:$0x1e];
	[sflag:s13] =	ssyncset.done $0x0  }
0x83: {  	s25 =	rddreg [dreg:$0x1f];
	[sflag:s13] =	ssyncadd.s32 $0xFFFF8000  }
0x84: {  	[hbm4b:s21+s2] =	stream.linear.scatter [tilespmem:s12], [sflag:$0x4], $0x8000, $0x38;
	v63 =	vld [tilespmem:$0x0]  }
0x85: {  	s21 =	sld [smem:$0x7FC]  }
0x86: {  	[hbm4b:s25+s2] =	stream.linear.scatter [tilespmem:s12], [sflag:$0x4], $0x8000, $0x38;
	v63 =	vld [tilespmem:$0x0]  }
0x87: {  	_ = 	snop  }
0x88: {  	[hbm4b:s21+s2] =	stream.linear.scatter [tilespmem:s12], [sflag:$0x4], $0x8000, $0x38;
	v63 =	vld [tilespmem:$0x0]  }
0x89: {  	_ = 	snop  }
0x8a: {  	[hbm4b:s20+s2] =	stream.linear.scatter [tilespmem:s12], [sflag:$0x4], $0x8000, $0x38;
	v63 =	vld [tilespmem:$0x0]  }
0x8b: {  	_ =	swait.ge [sflag:s4], $0x8000  }
0x8c: {  	[sflag:s4] =	ssyncset.done $0x0  }
0x8d: {  	[sflag:s4] =	ssyncadd.s32 $0xFFFF8000  }
0x8e: {  	_ =	swait.ge [sflag:s4], $0x8000  }
0x8f: {  	[sflag:s4] =	ssyncset.done $0x0  }
0x90: {  	[sflag:s4] =	ssyncadd.s32 $0xFFFF8000  }
0x91: {  	_ =	swait.ge [sflag:s4], $0x8000  }
0x92: {  	[sflag:s4] =	ssyncset.done $0x0  }
0x93: {  	[sflag:s4] =	ssyncadd.s32 $0xFFFF8000  }
0x94: {  	_ =	swait.ge [sflag:s4], $0x8000  }
0x95: {  	[sflag:s4] =	ssyncset.done $0x0  }
0x96: {  	[sflag:s4] =	ssyncadd.s32 $0xFFFF8000  }
0x97: {  	[tilespmem:s2], [sflag:$0x1] =	stream.linear.gather [hbm4b:s18+s2], $0x8000, $0x38;
	v63 =	vld [tilespmem:$0x0]  }
0x98: {  	_ =	swait.ge [sflag:s19], $0x8000  }
0x99: {  	[sflag:s19] =	ssyncset.done $0x0  }
0x9a: {  	[sflag:s19] =	ssyncadd.s32 $0xFFFF8000  }
0x9b: {  	[hbm4b:s14+s2] =	stream.linear.scatter [tilespmem:s2], [sflag:$0x3], $0x8000, $0x38;
	v63 =	vld [tilespmem:$0x0]  }
0x9c: {  	_ = 	snop  }
0x9d: {  	[hbm4b:s15+s2] =	stream.linear.scatter [tilespmem:s2], [sflag:$0x3], $0x8000, $0x38;
	v63 =	vld [tilespmem:$0x0]  }
0x9e: {  	_ = 	snop  }
0x9f: {  	[hbm4b:s16+s2] =	stream.linear.scatter [tilespmem:s2], [sflag:$0x3], $0x8000, $0x38;
	v63 =	vld [tilespmem:$0x0]  }
0xa0: {  	_ = 	snop  }
0xa1: {  	[hbm4b:s17+s2] =	stream.linear.scatter [tilespmem:s2], [sflag:$0x3], $0x8000, $0x38;
	v63 =	vld [tilespmem:$0x0]  }
0xa2: {  	_ =	swait.ge [sflag:s3], $0x8000  }
0xa3: {  	[sflag:s3] =	ssyncset.done $0x0  }
0xa4: {  	[sflag:s3] =	ssyncadd.s32 $0xFFFF8000  }
0xa5: {  	_ =	swait.ge [sflag:s3], $0x8000  }
0xa6: {  	[sflag:s3] =	ssyncset.done $0x0  }
0xa7: {  	[sflag:s3] =	ssyncadd.s32 $0xFFFF8000  }
0xa8: {  	_ =	swait.ge [sflag:s3], $0x8000  }
0xa9: {  	[sflag:s3] =	ssyncset.done $0x0  }
0xaa: {  	[sflag:s3] =	ssyncadd.s32 $0xFFFF8000  }
0xab: {  	_ =	swait.ge [sflag:s3], $0x8000  }
0xac: {  	[sflag:s3] =	ssyncset.done $0x0  }
0xad: {  	[sflag:s3] =	ssyncadd.s32 $0xFFFF8000  }
0xae: {  	[tilespmem:s12], [sflag:$0x2] =	stream.linear.gather [hbm4b:s11+s2], $0x8000, $0x38;
	v63 =	vld [tilespmem:$0x0]  }
0xaf: {  	_ =	swait.ge [sflag:s13], $0x8000  }
0xb0: {  	[sflag:s13] =	ssyncset.done $0x0  }
0xb1: {  	[sflag:s13] =	ssyncadd.s32 $0xFFFF8000  }
0xb2: {  	[hbm4b:s6+s2] =	stream.linear.scatter [tilespmem:s12], [sflag:$0x4], $0x8000, $0x38;
	v63 =	vld [tilespmem:$0x0]  }
0xb3: {  	_ = 	snop  }
0xb4: {  	[hbm4b:s7+s2] =	stream.linear.scatter [tilespmem:s12], [sflag:$0x4], $0x8000, $0x38;
	v63 =	vld [tilespmem:$0x0]  }
0xb5: {  	_ = 	snop  }
0xb6: {  	[hbm4b:s8+s2] =	stream.linear.scatter [tilespmem:s12], [sflag:$0x4], $0x8000, $0x38;
	v63 =	vld [tilespmem:$0x0]  }
0xb7: {  	_ = 	snop  }
0xb8: {  	[hbm4b:s9+s2] =	stream.linear.scatter [tilespmem:s12], [sflag:$0x4], $0x8000, $0x38;
	v63 =	vld [tilespmem:$0x0]  }
0xb9: {  	_ =	swait.ge [sflag:s10], $0x1000  }
0xba: {  	[sflag:s10] =	ssyncset.done $0x0  }
0xbb: {  	[sflag:s10] =	ssyncadd.s32 $0xFFFFF000  }
0xbc: {  	_ =	swait.ge [sflag:s10], $0x1000  }
0xbd: {  	[sflag:s10] =	ssyncset.done $0x0  }
0xbe: {  	[sflag:s10] =	ssyncadd.s32 $0xFFFFF000  }
0xbf: {  	_ =	swait.ge [sflag:s10], $0x1000  }
0xc0: {  	[sflag:s10] =	ssyncset.done $0x0  }
0xc1: {  	[sflag:s10] =	ssyncadd.s32 $0xFFFFF000  }
0xc2: {  	_ =	swait.ge [sflag:s10], $0x1000  }
0xc3: {  	[sflag:s10] =	ssyncset.done $0x0  }
0xc4: {  	[sflag:s10] =	ssyncadd.s32 $0xFFFFF000  }
0xc5: {  	_ =	swait.ge [sflag:s5], $0x1000  }
0xc6: {  	[sflag:s5] =	ssyncset.done $0x0  }
0xc7: {  	[sflag:s5] =	ssyncadd.s32 $0xFFFFF000  }
0xc8: {  	_ =	swait.ge [sflag:s5], $0x1000  }
0xc9: {  	[sflag:s5] =	ssyncset.done $0x0  }
0xca: {  	[sflag:s5] =	ssyncadd.s32 $0xFFFFF000  }
0xcb: {  	_ =	swait.ge [sflag:s5], $0x1000  }
0xcc: {  	[sflag:s5] =	ssyncset.done $0x0  }
0xcd: {  	[sflag:s5] =	ssyncadd.s32 $0xFFFFF000  }
0xce: {  	_ =	swait.ge [sflag:s5], $0x1000  }
0xcf: {  	[sflag:s5] =	ssyncset.done $0x0  }
0xd0: {  	[sflag:s5] =	ssyncadd.s32 $0xFFFFF000  }
0xd1: {  	_ =	swait.ge [sflag:s4], $0x8000  }
0xd2: {  	[sflag:s4] =	ssyncset.done $0x0  }
0xd3: {  	[sflag:s4] =	ssyncadd.s32 $0xFFFF8000  }
0xd4: {  	_ =	swait.ge [sflag:s4], $0x8000  }
0xd5: {  	[sflag:s4] =	ssyncset.done $0x0  }
0xd6: {  	[sflag:s4] =	ssyncadd.s32 $0xFFFF8000  }
0xd7: {  	_ =	swait.ge [sflag:s4], $0x8000  }
0xd8: {  	[sflag:s4] =	ssyncset.done $0x0  }
0xd9: {  	[sflag:s4] =	ssyncadd.s32 $0xFFFF8000  }
0xda: {  	_ =	swait.ge [sflag:s4], $0x8000  }
0xdb: {  	[sflag:s4] =	ssyncset.done $0x0  }
0xdc: {  	[sflag:s4] =	ssyncadd.s32 $0xFFFF8000  }
0xdd: {  	_ =	swait.ge [sflag:s3], $0x8000  }
0xde: {  	[sflag:s3] =	ssyncset.done $0x0  }
0xdf: {  	[sflag:s3] =	ssyncadd.s32 $0xFFFF8000  }
0xe0: {  	_ =	swait.ge [sflag:s3], $0x8000  }
0xe1: {  	[sflag:s3] =	ssyncset.done $0x0  }
0xe2: {  	p1 =	sne.s32 s0, $0x1;
	[sflag:s3] =	ssyncadd.s32 $0xFFFF8000  }
.Ltmp1:
0xe3: {  	_ =	swait.ge [sflag:s3], $0x8000;
	(pc) =	sbr.rel @!p1 .LBB2_2-.Ltmp1, $4  }
0xe4: {  	[sflag:s3] =	ssyncset.done $0x0  }
0xe5: {  	[sflag:s3] =	ssyncadd.s32 $0xFFFF8000  }
0xe6: {  	s0 =	sadd.s32 $0xFFFFFFFF, s0;
	_ =	swait.ge [sflag:s3], $0x8000  }
0xe7: {  	p0 =	por $0x1, $0x1;
	s1 =	rddreg [dreg:$0x6];
	[sflag:s3] =	ssyncset.done $0x0  }
.LBB2_3:
0xe8: {  	s25 =	rddreg [dreg:$0x4]  }
0xe9: {  	[sflag:s3] =	ssyncadd.s32 $0xFFFF8000;
	s21 =	rddreg [dreg:$0x5]  }
0xea: {  	[tilespmem:s2], [sflag:$0x1] =	stream.linear.gather [hbm4b:s25+s2], $0x8000, $0x38;
	v63 =	vld [tilespmem:$0x0]  }
0xeb: {  	[spmem:s28], [sflag:s1] =	dma.local [hbm:s21], $0x1000  }
0xec: {  	_ =	swait.ge [sflag:s26], $0x1000  }
0xed: {  	[sflag:s26] =	ssyncset.done $0x0  }
0xee: {  	s25 =	rddreg [dreg:$0x7];
	[sflag:s26] =	ssyncadd.s32 $0xFFFFF000  }
0xef: {  	[hbm:s25], [sflag:s29] =	dma.local [spmem:s28], $0x1000  }
0xf0: {  	s1 =	rddreg [dreg:$0x8]  }
0xf1: {  	[hbm:s1], [sflag:s29] =	dma.local [spmem:s28], $0x1000  }
0xf2: {  	s1 =	rddreg [dreg:$0x9]  }
0xf3: {  	[hbm:s1], [sflag:s29] =	dma.local [spmem:s28], $0x1000  }
0xf4: {  	s1 =	rddreg [dreg:$0xa]  }
0xf5: {  	[hbm:s1], [sflag:s29] =	dma.local [spmem:s28], $0x1000  }
0xf6: {  	s1 =	rddreg [dreg:$0xb]  }
0xf7: {  	[spmem:s23], [sflag:s30] =	dma.local [hbm:s1], $0x1000  }
0xf8: {  	_ =	swait.ge [sflag:s19], $0x8000  }
0xf9: {  	[sflag:s19] =	ssyncset.done $0x0  }
0xfa: {  	[sflag:s19] =	ssyncadd.s32 $0xFFFF8000  }
0xfb: {  	[hbm4b:s22+s2] =	stream.linear.scatter [tilespmem:s2], [sflag:$0x3], $0x8000, $0x38;
	v63 =	vld [tilespmem:$0x0]  }
0xfc: {  	s21 =	rddreg [dreg:$0xc]  }
0xfd: {  	[hbm4b:s21+s2] =	stream.linear.scatter [tilespmem:s2], [sflag:$0x3], $0x8000, $0x38;
	v63 =	vld [tilespmem:$0x0]  }
0xfe: {  	s25 =	rddreg [dreg:$0xd]  }
0xff: {  	[hbm4b:s25+s2] =	stream.linear.scatter [tilespmem:s2], [sflag:$0x3], $0x8000, $0x38;
	v63 =	vld [tilespmem:$0x0]  }
0x100: {  	s1 =	rddreg [dreg:$0xe]  }
0x101: {  	[hbm4b:s1+s2] =	stream.linear.scatter [tilespmem:s2], [sflag:$0x3], $0x8000, $0x38;
	v63 =	vld [tilespmem:$0x0]  }
0x102: {  	s25 =	rddreg [dreg:$0xf]  }
0x103: {  	[tilespmem:s12], [sflag:$0x2] =	stream.linear.gather [hbm4b:s25+s2], $0x8000, $0x38;
	v63 =	vld [tilespmem:$0x0]  }
0x104: {  	_ =	swait.ge [sflag:s24], $0x1000  }
0x105: {  	[sflag:s24] =	ssyncset.done $0x0  }
0x106: {  	s25 =	rddreg [dreg:$0x10];
	[sflag:s24] =	ssyncadd.s32 $0xFFFFF000  }
0x107: {  	[hbm:s25], [sflag:s31] =	dma.local [spmem:s23], $0x1000  }
0x108: {  	s1 =	rddreg [dreg:$0x11]  }
0x109: {  	[hbm:s1], [sflag:s31] =	dma.local [spmem:s23], $0x1000  }
0x10a: {  	s1 =	rddreg [dreg:$0x12]  }
0x10b: {  	[hbm:s1], [sflag:s31] =	dma.local [spmem:s23], $0x1000  }
0x10c: {  	s1 =	rddreg [dreg:$0x13]  }
0x10d: {  	[hbm:s1], [sflag:s31] =	dma.local [spmem:s23], $0x1000  }
0x10e: {  	_ =	swait.ge [sflag:s13], $0x8000  }
0x10f: {  	[sflag:s13] =	ssyncset.done $0x0  }
0x110: {  	s21 =	rddreg [dreg:$0x14];
	[sflag:s13] =	ssyncadd.s32 $0xFFFF8000  }
0x111: {  	[hbm4b:s21+s2] =	stream.linear.scatter [tilespmem:s12], [sflag:$0x4], $0x8000, $0x38;
	v63 =	vld [tilespmem:$0x0]  }
0x112: {  	s25 =	rddreg [dreg:$0x15]  }
0x113: {  	[hbm4b:s25+s2] =	stream.linear.scatter [tilespmem:s12], [sflag:$0x4], $0x8000, $0x38;
	v63 =	vld [tilespmem:$0x0]  }
0x114: {  	s1 =	rddreg [dreg:$0x16]  }
0x115: {  	[hbm4b:s1+s2] =	stream.linear.scatter [tilespmem:s12], [sflag:$0x4], $0x8000, $0x38;
	v63 =	vld [tilespmem:$0x0]  }
0x116: {  	s25 =	rddreg [dreg:$0x17]  }
0x117: {  	[hbm4b:s25+s2] =	stream.linear.scatter [tilespmem:s12], [sflag:$0x4], $0x8000, $0x38;
	v63 =	vld [tilespmem:$0x0]  }
0x118: {  	_ =	swait.ge [sflag:s4], $0x8000  }
0x119: {  	[sflag:s4] =	ssyncset.done $0x0  }
0x11a: {  	[sflag:s4] =	ssyncadd.s32 $0xFFFF8000  }
0x11b: {  	_ =	swait.ge [sflag:s4], $0x8000  }
0x11c: {  	[sflag:s4] =	ssyncset.done $0x0  }
0x11d: {  	[sflag:s4] =	ssyncadd.s32 $0xFFFF8000  }
0x11e: {  	_ =	swait.ge [sflag:s4], $0x8000  }
0x11f: {  	[sflag:s4] =	ssyncset.done $0x0  }
0x120: {  	[sflag:s4] =	ssyncadd.s32 $0xFFFF8000  }
0x121: {  	_ =	swait.ge [sflag:s4], $0x8000  }
0x122: {  	[sflag:s4] =	ssyncset.done $0x0  }
0x123: {  	s25 =	rddreg [dreg:$0x18];
	[sflag:s4] =	ssyncadd.s32 $0xFFFF8000  }
0x124: {  	[tilespmem:s2], [sflag:$0x1] =	stream.linear.gather [hbm4b:s25+s2], $0x8000, $0x38;
	v63 =	vld [tilespmem:$0x0]  }
0x125: {  	_ =	swait.ge [sflag:s19], $0x8000  }
0x126: {  	[sflag:s19] =	ssyncset.done $0x0  }
0x127: {  	s21 =	rddreg [dreg:$0x19];
	[sflag:s19] =	ssyncadd.s32 $0xFFFF8000  }
0x128: {  	[hbm4b:s21+s2] =	stream.linear.scatter [tilespmem:s2], [sflag:$0x3], $0x8000, $0x38;
	v63 =	vld [tilespmem:$0x0]  }
0x129: {  	s25 =	rddreg [dreg:$0x1a]  }
0x12a: {  	[hbm4b:s25+s2] =	stream.linear.scatter [tilespmem:s2], [sflag:$0x3], $0x8000, $0x38;
	v63 =	vld [tilespmem:$0x0]  }
0x12b: {  	s1 =	rddreg [dreg:$0x1b]  }
0x12c: {  	[hbm4b:s1+s2] =	stream.linear.scatter [tilespmem:s2], [sflag:$0x3], $0x8000, $0x38;
	v63 =	vld [tilespmem:$0x0]  }
0x12d: {  	s25 =	rddreg [dreg:$0x1c]  }
0x12e: {  	[hbm4b:s25+s2] =	stream.linear.scatter [tilespmem:s2], [sflag:$0x3], $0x8000, $0x38;
	v63 =	vld [tilespmem:$0x0]  }
0x12f: {  	_ =	swait.ge [sflag:s3], $0x8000  }
0x130: {  	[sflag:s3] =	ssyncset.done $0x0  }
0x131: {  	[sflag:s3] =	ssyncadd.s32 $0xFFFF8000  }
0x132: {  	_ =	swait.ge [sflag:s3], $0x8000  }
0x133: {  	[sflag:s3] =	ssyncset.done $0x0  }
0x134: {  	[sflag:s3] =	ssyncadd.s32 $0xFFFF8000  }
0x135: {  	_ =	swait.ge [sflag:s3], $0x8000  }
0x136: {  	[sflag:s3] =	ssyncset.done $0x0  }
0x137: {  	[sflag:s3] =	ssyncadd.s32 $0xFFFF8000  }
0x138: {  	_ =	swait.ge [sflag:s3], $0x8000  }
0x139: {  	[sflag:s3] =	ssyncset.done $0x0  }
0x13a: {  	s21 =	rddreg [dreg:$0x1d];
	[sflag:s3] =	ssyncadd.s32 $0xFFFF8000  }
0x13b: {  	[tilespmem:s12], [sflag:$0x2] =	stream.linear.gather [hbm4b:s21+s2], $0x8000, $0x38;
	v63 =	vld [tilespmem:$0x0]  }
0x13c: {  	_ =	swait.ge [sflag:s13], $0x8000  }
0x13d: {  	s25 =	rddreg [dreg:$0x1e];
	[sflag:s13] =	ssyncset.done $0x0  }
0x13e: {  	s21 =	rddreg [dreg:$0x1f];
	[sflag:s13] =	ssyncadd.s32 $0xFFFF8000  }
0x13f: {  	[hbm4b:s25+s2] =	stream.linear.scatter [tilespmem:s12], [sflag:$0x4], $0x8000, $0x38;
	v63 =	vld [tilespmem:$0x0]  }
0x140: {  	s25 =	sld [smem:$0x7FC]  }
0x141: {  	[hbm4b:s21+s2] =	stream.linear.scatter [tilespmem:s12], [sflag:$0x4], $0x8000, $0x38;
	v63 =	vld [tilespmem:$0x0]  }
0x142: {  	_ = 	snop  }
0x143: {  	[hbm4b:s25+s2] =	stream.linear.scatter [tilespmem:s12], [sflag:$0x4], $0x8000, $0x38;
	v63 =	vld [tilespmem:$0x0]  }
0x144: {  	_ = 	snop  }
0x145: {  	[hbm4b:s20+s2] =	stream.linear.scatter [tilespmem:s12], [sflag:$0x4], $0x8000, $0x38;
	v63 =	vld [tilespmem:$0x0]  }
0x146: {  	_ =	swait.ge [sflag:s4], $0x8000  }
0x147: {  	[sflag:s4] =	ssyncset.done $0x0  }
0x148: {  	[sflag:s4] =	ssyncadd.s32 $0xFFFF8000  }
0x149: {  	_ =	swait.ge [sflag:s4], $0x8000  }
0x14a: {  	[sflag:s4] =	ssyncset.done $0x0  }
0x14b: {  	[sflag:s4] =	ssyncadd.s32 $0xFFFF8000  }
0x14c: {  	_ =	swait.ge [sflag:s4], $0x8000  }
0x14d: {  	[sflag:s4] =	ssyncset.done $0x0  }
0x14e: {  	[sflag:s4] =	ssyncadd.s32 $0xFFFF8000  }
0x14f: {  	_ =	swait.ge [sflag:s4], $0x8000  }
0x150: {  	[sflag:s4] =	ssyncset.done $0x0  }
0x151: {  	[sflag:s4] =	ssyncadd.s32 $0xFFFF8000  }
0x152: {  	[tilespmem:s2], [sflag:$0x1] =	stream.linear.gather [hbm4b:s18+s2], $0x8000, $0x38;
	v63 =	vld [tilespmem:$0x0]  }
0x153: {  	_ =	swait.ge [sflag:s19], $0x8000  }
0x154: {  	[sflag:s19] =	ssyncset.done $0x0  }
0x155: {  	[sflag:s19] =	ssyncadd.s32 $0xFFFF8000  }
0x156: {  	[hbm4b:s14+s2] =	stream.linear.scatter [tilespmem:s2], [sflag:$0x3], $0x8000, $0x38;
	v63 =	vld [tilespmem:$0x0]  }
0x157: {  	_ = 	snop  }
0x158: {  	[hbm4b:s15+s2] =	stream.linear.scatter [tilespmem:s2], [sflag:$0x3], $0x8000, $0x38;
	v63 =	vld [tilespmem:$0x0]  }
0x159: {  	_ = 	snop  }
0x15a: {  	[hbm4b:s16+s2] =	stream.linear.scatter [tilespmem:s2], [sflag:$0x3], $0x8000, $0x38;
	v63 =	vld [tilespmem:$0x0]  }
0x15b: {  	_ = 	snop  }
0x15c: {  	[hbm4b:s17+s2] =	stream.linear.scatter [tilespmem:s2], [sflag:$0x3], $0x8000, $0x38;
	v63 =	vld [tilespmem:$0x0]  }
0x15d: {  	_ =	swait.ge [sflag:s3], $0x8000  }
0x15e: {  	[sflag:s3] =	ssyncset.done $0x0  }
0x15f: {  	[sflag:s3] =	ssyncadd.s32 $0xFFFF8000  }
0x160: {  	_ =	swait.ge [sflag:s3], $0x8000  }
0x161: {  	[sflag:s3] =	ssyncset.done $0x0  }
0x162: {  	[sflag:s3] =	ssyncadd.s32 $0xFFFF8000  }
0x163: {  	_ =	swait.ge [sflag:s3], $0x8000  }
0x164: {  	[sflag:s3] =	ssyncset.done $0x0  }
0x165: {  	[sflag:s3] =	ssyncadd.s32 $0xFFFF8000  }
0x166: {  	_ =	swait.ge [sflag:s3], $0x8000  }
0x167: {  	[sflag:s3] =	ssyncset.done $0x0  }
0x168: {  	[sflag:s3] =	ssyncadd.s32 $0xFFFF8000  }
0x169: {  	[tilespmem:s12], [sflag:$0x2] =	stream.linear.gather [hbm4b:s11+s2], $0x8000, $0x38;
	v63 =	vld [tilespmem:$0x0]  }
0x16a: {  	_ =	swait.ge [sflag:s13], $0x8000  }
0x16b: {  	[sflag:s13] =	ssyncset.done $0x0  }
0x16c: {  	[sflag:s13] =	ssyncadd.s32 $0xFFFF8000  }
0x16d: {  	[hbm4b:s6+s2] =	stream.linear.scatter [tilespmem:s12], [sflag:$0x4], $0x8000, $0x38;
	v63 =	vld [tilespmem:$0x0]  }
0x16e: {  	_ = 	snop  }
0x16f: {  	[hbm4b:s7+s2] =	stream.linear.scatter [tilespmem:s12], [sflag:$0x4], $0x8000, $0x38;
	v63 =	vld [tilespmem:$0x0]  }
0x170: {  	_ = 	snop  }
0x171: {  	[hbm4b:s8+s2] =	stream.linear.scatter [tilespmem:s12], [sflag:$0x4], $0x8000, $0x38;
	v63 =	vld [tilespmem:$0x0]  }
0x172: {  	_ = 	snop  }
0x173: {  	[hbm4b:s9+s2] =	stream.linear.scatter [tilespmem:s12], [sflag:$0x4], $0x8000, $0x38;
	v63 =	vld [tilespmem:$0x0]  }
0x174: {  	_ =	swait.ge [sflag:s10], $0x1000  }
0x175: {  	[sflag:s10] =	ssyncset.done $0x0  }
0x176: {  	[sflag:s10] =	ssyncadd.s32 $0xFFFFF000  }
0x177: {  	_ =	swait.ge [sflag:s10], $0x1000  }
0x178: {  	[sflag:s10] =	ssyncset.done $0x0  }
0x179: {  	[sflag:s10] =	ssyncadd.s32 $0xFFFFF000  }
0x17a: {  	_ =	swait.ge [sflag:s10], $0x1000  }
0x17b: {  	[sflag:s10] =	ssyncset.done $0x0  }
0x17c: {  	[sflag:s10] =	ssyncadd.s32 $0xFFFFF000  }
0x17d: {  	_ =	swait.ge [sflag:s10], $0x1000  }
0x17e: {  	[sflag:s10] =	ssyncset.done $0x0  }
0x17f: {  	[sflag:s10] =	ssyncadd.s32 $0xFFFFF000  }
0x180: {  	_ =	swait.ge [sflag:s5], $0x1000  }
0x181: {  	[sflag:s5] =	ssyncset.done $0x0  }
0x182: {  	[sflag:s5] =	ssyncadd.s32 $0xFFFFF000  }
0x183: {  	_ =	swait.ge [sflag:s5], $0x1000  }
0x184: {  	[sflag:s5] =	ssyncset.done $0x0  }
0x185: {  	[sflag:s5] =	ssyncadd.s32 $0xFFFFF000  }
0x186: {  	_ =	swait.ge [sflag:s5], $0x1000  }
0x187: {  	[sflag:s5] =	ssyncset.done $0x0  }
0x188: {  	[sflag:s5] =	ssyncadd.s32 $0xFFFFF000  }
0x189: {  	_ =	swait.ge [sflag:s5], $0x1000  }
0x18a: {  	[sflag:s5] =	ssyncset.done $0x0  }
0x18b: {  	[sflag:s5] =	ssyncadd.s32 $0xFFFFF000  }
0x18c: {  	_ =	swait.ge [sflag:s4], $0x8000  }
0x18d: {  	[sflag:s4] =	ssyncset.done $0x0  }
0x18e: {  	[sflag:s4] =	ssyncadd.s32 $0xFFFF8000  }
0x18f: {  	_ =	swait.ge [sflag:s4], $0x8000  }
0x190: {  	[sflag:s4] =	ssyncset.done $0x0  }
0x191: {  	[sflag:s4] =	ssyncadd.s32 $0xFFFF8000  }
0x192: {  	_ =	swait.ge [sflag:s4], $0x8000  }
0x193: {  	[sflag:s4] =	ssyncset.done $0x0  }
0x194: {  	[sflag:s4] =	ssyncadd.s32 $0xFFFF8000  }
0x195: {  	_ =	swait.ge [sflag:s4], $0x8000  }
0x196: {  	[sflag:s4] =	ssyncset.done $0x0  }
0x197: {  	[sflag:s4] =	ssyncadd.s32 $0xFFFF8000  }
0x198: {  	_ =	swait.ge [sflag:s3], $0x8000  }
0x199: {  	[sflag:s3] =	ssyncset.done $0x0  }
0x19a: {  	[sflag:s3] =	ssyncadd.s32 $0xFFFF8000  }
0x19b: {  	_ =	swait.ge [sflag:s3], $0x8000  }
0x19c: {  	[sflag:s3] =	ssyncset.done $0x0  }
0x19d: {  	p1 =	sne.s32 s0, $0x1;
	[sflag:s3] =	ssyncadd.s32 $0xFFFF8000  }
.Ltmp2:
0x19e: {  	_ =	swait.ge [sflag:s3], $0x8000;
	(pc) =	sbr.rel @p1 .LBB2_3-.Ltmp2, $4  }
0x19f: {  	[sflag:s3] =	ssyncset.done $0x0  }
0x1a0: {  	[sflag:s3] =	ssyncadd.s32 $0xFFFF8000  }
0x1a1: {  	_ =	swait.ge [sflag:s3], $0x8000  }
0x1a2: {  	s0 =	sadd.s32 $0xFFFFFFFF, s0;
	s1 =	rddreg [dreg:$0x6];
	[sflag:s3] =	ssyncset.done $0x0  }
0x1a3: {  	s25 =	rddreg [dreg:$0x3]  }
0x1a4: {  	s28 =	stileid.u32;
	s31 =	sld [smem:$0x7FB]  }
.LBB2_5:
0x1a5: {  	s0 =	rddreg [dreg:$0x4];
	[sflag:s3] =	ssyncadd.s32 @p0 $0xFFFF8000  }
0x1a6: {  	[tilespmem:s2], [sflag:$0x1] =	stream.linear.gather [hbm4b:s0+s2], $0x8000, $0x38;
	v63 =	vld [tilespmem:$0x0]  }
0x1a7: {  	s21 =	rddreg [dreg:$0x5];
	s29 =	sshrl.u32 s31, $0x3  }
0x1a8: {  	[spmem:s29], [sflag:s1] =	dma.local [hbm:s21], $0x1000  }
0x1a9: {  	_ =	swait.ge [sflag:s26], $0x1000  }
0x1aa: {  	[sflag:s26] =	ssyncset.done $0x0  }
0x1ab: {  	[sflag:s26] =	ssyncadd.s32 $0xFFFFF000;
	s26 =	sld [smem:$0x7FD];
	_ =	sdelay $0x2  }
0x1ac: {  	s30 =	rddreg [dreg:$0x7];
	s31 =	sor.u32 $0x1C07, s26  }
0x1ad: {  	[hbm:s30], [sflag:s31] =	dma.local [spmem:s29], $0x1000  }
0x1ae: {  	s1 =	rddreg [dreg:$0x8]  }
0x1af: {  	[hbm:s1], [sflag:s31] =	dma.local [spmem:s29], $0x1000  }
0x1b0: {  	s1 =	rddreg [dreg:$0x9]  }
0x1b1: {  	[hbm:s1], [sflag:s31] =	dma.local [spmem:s29], $0x1000  }
0x1b2: {  	s1 =	rddreg [dreg:$0xa]  }
0x1b3: {  	[hbm:s1], [sflag:s31] =	dma.local [spmem:s29], $0x1000  }
0x1b4: {  	s21 =	sor.u32 $0x1C06, s26;
	s0 =	rddreg [dreg:$0xb]  }
0x1b5: {  	[spmem:s23], [sflag:s21] =	dma.local [hbm:s0], $0x1000  }
0x1b6: {  	_ =	swait.ge [sflag:s19], $0x8000  }
0x1b7: {  	[sflag:s19] =	ssyncset.done $0x0  }
0x1b8: {  	[sflag:s19] =	ssyncadd.s32 $0xFFFF8000  }
0x1b9: {  	[hbm4b:s22+s2] =	stream.linear.scatter [tilespmem:s2], [sflag:$0x3], $0x8000, $0x38;
	v63 =	vld [tilespmem:$0x0]  }
0x1ba: {  	s29 =	rddreg [dreg:$0xc]  }
0x1bb: {  	[hbm4b:s29+s2] =	stream.linear.scatter [tilespmem:s2], [sflag:$0x3], $0x8000, $0x38;
	v63 =	vld [tilespmem:$0x0]  }
0x1bc: {  	s30 =	rddreg [dreg:$0xd]  }
0x1bd: {  	[hbm4b:s30+s2] =	stream.linear.scatter [tilespmem:s2], [sflag:$0x3], $0x8000, $0x38;
	v63 =	vld [tilespmem:$0x0]  }
0x1be: {  	s31 =	rddreg [dreg:$0xe]  }
0x1bf: {  	[hbm4b:s31+s2] =	stream.linear.scatter [tilespmem:s2], [sflag:$0x3], $0x8000, $0x38;
	v63 =	vld [tilespmem:$0x0]  }
0x1c0: {  	s21 =	rddreg [dreg:$0xf]  }
0x1c1: {  	[tilespmem:s12], [sflag:$0x2] =	stream.linear.gather [hbm4b:s21+s2], $0x8000, $0x38;
	v63 =	vld [tilespmem:$0x0]  }
0x1c2: {  	_ =	swait.ge [sflag:s24], $0x1000  }
0x1c3: {  	[sflag:s24] =	ssyncset.done $0x0  }
0x1c4: {  	s22 =	rddreg [dreg:$0x10];
	[sflag:s24] =	ssyncadd.s32 $0xFFFFF000;
	s24 =	sor.u32 $0x1C08, s26  }
0x1c5: {  	[hbm:s22], [sflag:s24] =	dma.local [spmem:s23], $0x1000  }
0x1c6: {  	s0 =	rddreg [dreg:$0x11]  }
0x1c7: {  	[hbm:s0], [sflag:s24] =	dma.local [spmem:s23], $0x1000  }
0x1c8: {  	s0 =	rddreg [dreg:$0x12]  }
0x1c9: {  	[hbm:s0], [sflag:s24] =	dma.local [spmem:s23], $0x1000  }
0x1ca: {  	s0 =	rddreg [dreg:$0x13]  }
0x1cb: {  	[hbm:s0], [sflag:s24] =	dma.local [spmem:s23], $0x1000  }
0x1cc: {  	_ =	swait.ge [sflag:s13], $0x8000  }
0x1cd: {  	[sflag:s13] =	ssyncset.done $0x0  }
0x1ce: {  	s26 =	rddreg [dreg:$0x14];
	[sflag:s13] =	ssyncadd.s32 $0xFFFF8000  }
0x1cf: {  	[hbm4b:s26+s2] =	stream.linear.scatter [tilespmem:s12], [sflag:$0x4], $0x8000, $0x38;
	v63 =	vld [tilespmem:$0x0]  }
0x1d0: {  	s29 =	rddreg [dreg:$0x15]  }
0x1d1: {  	[hbm4b:s29+s2] =	stream.linear.scatter [tilespmem:s12], [sflag:$0x4], $0x8000, $0x38;
	v63 =	vld [tilespmem:$0x0]  }
0x1d2: {  	s30 =	rddreg [dreg:$0x16]  }
0x1d3: {  	[hbm4b:s30+s2] =	stream.linear.scatter [tilespmem:s12], [sflag:$0x4], $0x8000, $0x38;
	v63 =	vld [tilespmem:$0x0]  }
0x1d4: {  	s31 =	rddreg [dreg:$0x17]  }
0x1d5: {  	[hbm4b:s31+s2] =	stream.linear.scatter [tilespmem:s12], [sflag:$0x4], $0x8000, $0x38;
	v63 =	vld [tilespmem:$0x0]  }
0x1d6: {  	_ =	swait.ge [sflag:s4], $0x8000  }
0x1d7: {  	[sflag:s4] =	ssyncset.done $0x0  }
0x1d8: {  	[sflag:s4] =	ssyncadd.s32 $0xFFFF8000  }
0x1d9: {  	_ =	swait.ge [sflag:s4], $0x8000  }
0x1da: {  	[sflag:s4] =	ssyncset.done $0x0  }
0x1db: {  	[sflag:s4] =	ssyncadd.s32 $0xFFFF8000  }
0x1dc: {  	_ =	swait.ge [sflag:s4], $0x8000  }
0x1dd: {  	[sflag:s4] =	ssyncset.done $0x0  }
0x1de: {  	[sflag:s4] =	ssyncadd.s32 $0xFFFF8000  }
0x1df: {  	_ =	swait.ge [sflag:s4], $0x8000  }
0x1e0: {  	[sflag:s4] =	ssyncset.done $0x0  }
0x1e1: {  	s1 =	rddreg [dreg:$0x18];
	[sflag:s4] =	ssyncadd.s32 $0xFFFF8000  }
0x1e2: {  	[tilespmem:s2], [sflag:$0x1] =	stream.linear.gather [hbm4b:s1+s2], $0x8000, $0x38;
	v63 =	vld [tilespmem:$0x0]  }
0x1e3: {  	_ =	swait.ge [sflag:s19], $0x8000  }
0x1e4: {  	[sflag:s19] =	ssyncset.done $0x0  }
0x1e5: {  	s21 =	rddreg [dreg:$0x19];
	[sflag:s19] =	ssyncadd.s32 $0xFFFF8000  }
0x1e6: {  	[hbm4b:s21+s2] =	stream.linear.scatter [tilespmem:s2], [sflag:$0x3], $0x8000, $0x38;
	v63 =	vld [tilespmem:$0x0]  }
0x1e7: {  	s22 =	rddreg [dreg:$0x1a]  }
0x1e8: {  	[hbm4b:s22+s2] =	stream.linear.scatter [tilespmem:s2], [sflag:$0x3], $0x8000, $0x38;
	v63 =	vld [tilespmem:$0x0]  }
0x1e9: {  	s23 =	rddreg [dreg:$0x1b]  }
0x1ea: {  	[hbm4b:s23+s2] =	stream.linear.scatter [tilespmem:s2], [sflag:$0x3], $0x8000, $0x38;
	v63 =	vld [tilespmem:$0x0]  }
0x1eb: {  	s24 =	rddreg [dreg:$0x1c]  }
0x1ec: {  	[hbm4b:s24+s2] =	stream.linear.scatter [tilespmem:s2], [sflag:$0x3], $0x8000, $0x38;
	v63 =	vld [tilespmem:$0x0]  }
0x1ed: {  	_ =	swait.ge [sflag:s3], $0x8000  }
0x1ee: {  	[sflag:s3] =	ssyncset.done $0x0  }
0x1ef: {  	[sflag:s3] =	ssyncadd.s32 $0xFFFF8000  }
0x1f0: {  	_ =	swait.ge [sflag:s3], $0x8000  }
0x1f1: {  	[sflag:s3] =	ssyncset.done $0x0  }
0x1f2: {  	[sflag:s3] =	ssyncadd.s32 $0xFFFF8000  }
0x1f3: {  	_ =	swait.ge [sflag:s3], $0x8000  }
0x1f4: {  	[sflag:s3] =	ssyncset.done $0x0  }
0x1f5: {  	[sflag:s3] =	ssyncadd.s32 $0xFFFF8000  }
0x1f6: {  	_ =	swait.ge [sflag:s3], $0x8000  }
0x1f7: {  	[sflag:s3] =	ssyncset.done $0x0  }
0x1f8: {  	s26 =	rddreg [dreg:$0x1d];
	[sflag:s3] =	ssyncadd.s32 $0xFFFF8000  }
0x1f9: {  	[tilespmem:s12], [sflag:$0x2] =	stream.linear.gather [hbm4b:s26+s2], $0x8000, $0x38;
	v63 =	vld [tilespmem:$0x0]  }
0x1fa: {  	_ =	swait.ge [sflag:s13], $0x8000  }
0x1fb: {  	s29 =	rddreg [dreg:$0x1e];
	[sflag:s13] =	ssyncset.done $0x0  }
0x1fc: {  	s30 =	rddreg [dreg:$0x1f];
	[sflag:s13] =	ssyncadd.s32 $0xFFFF8000  }
0x1fd: {  	[hbm4b:s29+s2] =	stream.linear.scatter [tilespmem:s12], [sflag:$0x4], $0x8000, $0x38;
	v63 =	vld [tilespmem:$0x0]  }
0x1fe: {  	s31 =	sld [smem:$0x7FC]  }
0x1ff: {  	[hbm4b:s30+s2] =	stream.linear.scatter [tilespmem:s12], [sflag:$0x4], $0x8000, $0x38;
	v63 =	vld [tilespmem:$0x0]  }
0x200: {  	_ = 	snop  }
0x201: {  	[hbm4b:s31+s2] =	stream.linear.scatter [tilespmem:s12], [sflag:$0x4], $0x8000, $0x38;
	v63 =	vld [tilespmem:$0x0]  }
0x202: {  	_ = 	snop  }
0x203: {  	[hbm4b:s20+s2] =	stream.linear.scatter [tilespmem:s12], [sflag:$0x4], $0x8000, $0x38;
	v63 =	vld [tilespmem:$0x0]  }
0x204: {  	_ =	swait.ge [sflag:s4], $0x8000  }
0x205: {  	[sflag:s4] =	ssyncset.done $0x0  }
0x206: {  	[sflag:s4] =	ssyncadd.s32 $0xFFFF8000  }
0x207: {  	_ =	swait.ge [sflag:s4], $0x8000  }
0x208: {  	[sflag:s4] =	ssyncset.done $0x0  }
0x209: {  	[sflag:s4] =	ssyncadd.s32 $0xFFFF8000  }
0x20a: {  	_ =	swait.ge [sflag:s4], $0x8000  }
0x20b: {  	[sflag:s4] =	ssyncset.done $0x0  }
0x20c: {  	[sflag:s4] =	ssyncadd.s32 $0xFFFF8000  }
0x20d: {  	_ =	swait.ge [sflag:s4], $0x8000  }
0x20e: {  	[sflag:s4] =	ssyncset.done $0x0  }
0x20f: {  	[sflag:s4] =	ssyncadd.s32 $0xFFFF8000  }
0x210: {  	[tilespmem:s2], [sflag:$0x1] =	stream.linear.gather [hbm4b:s18+s2], $0x8000, $0x38;
	v63 =	vld [tilespmem:$0x0]  }
0x211: {  	_ =	swait.ge [sflag:s19], $0x8000  }
0x212: {  	[sflag:s19] =	ssyncset.done $0x0  }
0x213: {  	[sflag:s19] =	ssyncadd.s32 $0xFFFF8000  }
0x214: {  	[hbm4b:s14+s2] =	stream.linear.scatter [tilespmem:s2], [sflag:$0x3], $0x8000, $0x38;
	v63 =	vld [tilespmem:$0x0]  }
0x215: {  	_ = 	snop  }
0x216: {  	[hbm4b:s15+s2] =	stream.linear.scatter [tilespmem:s2], [sflag:$0x3], $0x8000, $0x38;
	v63 =	vld [tilespmem:$0x0]  }
0x217: {  	_ = 	snop  }
0x218: {  	[hbm4b:s16+s2] =	stream.linear.scatter [tilespmem:s2], [sflag:$0x3], $0x8000, $0x38;
	v63 =	vld [tilespmem:$0x0]  }
0x219: {  	_ = 	snop  }
0x21a: {  	[hbm4b:s17+s2] =	stream.linear.scatter [tilespmem:s2], [sflag:$0x3], $0x8000, $0x38;
	v63 =	vld [tilespmem:$0x0]  }
0x21b: {  	_ =	swait.ge [sflag:s3], $0x8000  }
0x21c: {  	[sflag:s3] =	ssyncset.done $0x0  }
0x21d: {  	[sflag:s3] =	ssyncadd.s32 $0xFFFF8000  }
0x21e: {  	_ =	swait.ge [sflag:s3], $0x8000  }
0x21f: {  	[sflag:s3] =	ssyncset.done $0x0  }
0x220: {  	[sflag:s3] =	ssyncadd.s32 $0xFFFF8000  }
0x221: {  	_ =	swait.ge [sflag:s3], $0x8000  }
0x222: {  	[sflag:s3] =	ssyncset.done $0x0  }
0x223: {  	[sflag:s3] =	ssyncadd.s32 $0xFFFF8000  }
0x224: {  	_ =	swait.ge [sflag:s3], $0x8000  }
0x225: {  	[sflag:s3] =	ssyncset.done $0x0  }
0x226: {  	[sflag:s3] =	ssyncadd.s32 $0xFFFF8000  }
0x227: {  	[tilespmem:s12], [sflag:$0x2] =	stream.linear.gather [hbm4b:s11+s2], $0x8000, $0x38;
	v63 =	vld [tilespmem:$0x0]  }
0x228: {  	_ =	swait.ge [sflag:s13], $0x8000  }
0x229: {  	[sflag:s13] =	ssyncset.done $0x0  }
0x22a: {  	[sflag:s13] =	ssyncadd.s32 $0xFFFF8000  }
0x22b: {  	[hbm4b:s6+s2] =	stream.linear.scatter [tilespmem:s12], [sflag:$0x4], $0x8000, $0x38;
	v63 =	vld [tilespmem:$0x0]  }
0x22c: {  	_ = 	snop  }
0x22d: {  	[hbm4b:s7+s2] =	stream.linear.scatter [tilespmem:s12], [sflag:$0x4], $0x8000, $0x38;
	v63 =	vld [tilespmem:$0x0]  }
0x22e: {  	_ = 	snop  }
0x22f: {  	[hbm4b:s8+s2] =	stream.linear.scatter [tilespmem:s12], [sflag:$0x4], $0x8000, $0x38;
	v63 =	vld [tilespmem:$0x0]  }
0x230: {  	_ = 	snop  }
0x231: {  	[hbm4b:s9+s2] =	stream.linear.scatter [tilespmem:s12], [sflag:$0x4], $0x8000, $0x38;
	v63 =	vld [tilespmem:$0x0]  }
0x232: {  	_ =	swait.ge [sflag:s10], $0x1000  }
0x233: {  	[sflag:s10] =	ssyncset.done $0x0  }
0x234: {  	[sflag:s10] =	ssyncadd.s32 $0xFFFFF000  }
0x235: {  	_ =	swait.ge [sflag:s10], $0x1000  }
0x236: {  	[sflag:s10] =	ssyncset.done $0x0  }
0x237: {  	[sflag:s10] =	ssyncadd.s32 $0xFFFFF000  }
0x238: {  	_ =	swait.ge [sflag:s10], $0x1000  }
0x239: {  	[sflag:s10] =	ssyncset.done $0x0  }
0x23a: {  	[sflag:s10] =	ssyncadd.s32 $0xFFFFF000  }
0x23b: {  	_ =	swait.ge [sflag:s10], $0x1000  }
0x23c: {  	[sflag:s10] =	ssyncset.done $0x0  }
0x23d: {  	[sflag:s10] =	ssyncadd.s32 $0xFFFFF000  }
0x23e: {  	_ =	swait.ge [sflag:s5], $0x1000  }
0x23f: {  	[sflag:s5] =	ssyncset.done $0x0  }
0x240: {  	[sflag:s5] =	ssyncadd.s32 $0xFFFFF000  }
0x241: {  	_ =	swait.ge [sflag:s5], $0x1000  }
0x242: {  	[sflag:s5] =	ssyncset.done $0x0  }
0x243: {  	[sflag:s5] =	ssyncadd.s32 $0xFFFFF000  }
0x244: {  	_ =	swait.ge [sflag:s5], $0x1000  }
0x245: {  	[sflag:s5] =	ssyncset.done $0x0  }
0x246: {  	[sflag:s5] =	ssyncadd.s32 $0xFFFFF000  }
0x247: {  	_ =	swait.ge [sflag:s5], $0x1000  }
0x248: {  	[sflag:s5] =	ssyncset.done $0x0  }
0x249: {  	[sflag:s5] =	ssyncadd.s32 $0xFFFFF000  }
0x24a: {  	_ =	swait.ge [sflag:s4], $0x8000  }
0x24b: {  	[sflag:s4] =	ssyncset.done $0x0  }
0x24c: {  	[sflag:s4] =	ssyncadd.s32 $0xFFFF8000  }
0x24d: {  	_ =	swait.ge [sflag:s4], $0x8000  }
0x24e: {  	[sflag:s4] =	ssyncset.done $0x0  }
0x24f: {  	[sflag:s4] =	ssyncadd.s32 $0xFFFF8000  }
0x250: {  	_ =	swait.ge [sflag:s4], $0x8000  }
0x251: {  	[sflag:s4] =	ssyncset.done $0x0  }
0x252: {  	[sflag:s4] =	ssyncadd.s32 $0xFFFF8000  }
0x253: {  	_ =	swait.ge [sflag:s4], $0x8000  }
0x254: {  	[sflag:s4] =	ssyncset.done $0x0  }
0x255: {  	[sflag:s4] =	ssyncadd.s32 $0xFFFF8000  }
0x256: {  	_ =	swait.ge [sflag:s3], $0x8000  }
0x257: {  	[sflag:s3] =	ssyncset.done $0x0  }
0x258: {  	[sflag:s3] =	ssyncadd.s32 $0xFFFF8000  }
0x259: {  	_ =	swait.ge [sflag:s3], $0x8000  }
0x25a: {  	[sflag:s3] =	ssyncset.done $0x0  }
0x25b: {  	[sflag:s3] =	ssyncadd.s32 $0xFFFF8000  }
0x25c: {  	_ =	swait.ge [sflag:s3], $0x8000  }
0x25d: {  	[sflag:s3] =	ssyncset.done $0x0  }
0x25e: {  	[sflag:s3] =	ssyncadd.s32 $0xFFFF8000  }
0x25f: {  	_ =	swait.ge [sflag:s3], $0x8000  }
0x260: {  	[sflag:s3] =	ssyncset.done $0x0  }
0x261: {  	[sflag:s3] =	ssyncadd.s32 $0xFFFF8000  }
0x262: {  	_ =	sfence.sel $0x180000  }
0x263: {  	[bflag:$0x0] =	sbarrier.arrive $0xFFFF  }
0x264: {  	p0 =	sne.s32 s28, $0x0;
	_ =	strace $0x90000047  }
0x265: {  	s0 =	sadd.s32 @!p0 $0x100000, s25;
	[bflag:$0x2] =	sbarrier.arrive $0xFFFF  }
0x266: {  	[sflag:s0] =	ssyncadd.tile.s32 @!p0 $0x1;
	_ =	shalt  }
.LBB2_2:
.Ltmp3:
0x267: {  	(pc) =	sbr.rel .LBB2_5-.Ltmp3, $3  }
0x268: {  	_ =	sdelay $0x1  }
0x269: {  	s25 =	rddreg [dreg:$0x3]  }
0x26a: {  	s28 =	stileid.u32;
	s31 =	sld [smem:$0x7FB]  }
.Lfunc_end2:
_tile_overlayer_lowered:
.L_overlay_start_2:
0x26b: {  	(tag) =	ssettag $0x2  }
0x26c: {  	s0 =	rddreg [dreg:$0x0];
	s2 =	stileid.u32  }
0x26d: {  	s1 =	rddreg [dreg:$0x1];
	p0 =	sne.s32 s2, $0x0  }
0x26e: {  	s3 =	rddreg [dreg:$0x2];
	[bflag:$0x3] =	sbarrier.arrive $0xFFFF;
	s2 =	simm.s32 @!p0 $0x1C09  }
0x26f: {  	[timem:s3], [sflag:s2] =	dma.local @!p0 [hbm:s0], s1  }
0x270: {  	s0 =	simm.s32 @!p0 $0x9  }
0x271: {  	_ =	swait.ge @!p0 [sflag:s0], s1  }
0x272: {  	s1 =	ssub.s32 @!p0 $0x0, s1;
	[sflag:s0] =	ssyncset.done @!p0 $0x0  }
0x273: {  	[sflag:s0] =	ssyncadd.s32 @!p0 s1  }
0x274: {  	[bflag:$0x3] =	sbarrier.arrive $0xFFFF  }
0x275: {  	_ =	shalt  }

</sc_bundles>
